<compile_context>
chip_gen: v7x
topology: tpu7x:2x2x1
jax: 0.10.2.dev20260603
libtpu: 0.0.44.dev20260713+nightly
codegen_flags: <defaults>
</compile_context>

<pallas_src>
import functools

import jax
import jax.numpy as jnp
from jax import lax
from jax.experimental import pallas as pl
from jax.experimental.pallas import tpu as pltpu
from jax.experimental.pallas import tpu_sc as plsc

T = 2048
D = 768
I = 2048
E = 64
CAP = 128
NW = 32
TPW = T // NW
XE_ROWS = E * CAP + CAP
IC = 1



def _router_body(x_ref, rw_ref, dd0_ref, dd1_ref, dc0_ref, dc1_ref,
                 g0_ref, g1_ref):
    x = x_ref[...]
    rw = rw_ref[...]
    logits = lax.dot_general(
        x.astype(jnp.bfloat16), rw.astype(jnp.bfloat16),
        (((1,), (1,)), ((), ())),
        preferred_element_type=jnp.float32)
    m = jnp.max(logits, axis=1, keepdims=True)
    ex = jnp.exp(logits - m)
    probs = ex / jnp.sum(ex, axis=1, keepdims=True)

    cols = lax.broadcasted_iota(jnp.int32, (T, E), 1)
    big = jnp.int32(E)
    v0 = jnp.max(probs, axis=1, keepdims=True)
    i0 = jnp.min(jnp.where(probs == v0, cols, big), axis=1, keepdims=True)
    masked = jnp.where(cols == i0, -jnp.inf, probs)
    v1 = jnp.max(masked, axis=1, keepdims=True)
    i1 = jnp.min(jnp.where(masked == v1, cols, big), axis=1, keepdims=True)

    ssum = v0 + v1
    gate0 = v0 / ssum
    gate1 = v1 / ssum

    oh0 = (cols == i0).astype(jnp.float32)
    oh1 = (cols == i1).astype(jnp.float32)
    ohs = oh0 + oh1
    c = ohs
    s = 1
    while s < T:
        zero = jnp.zeros((s, E), jnp.float32)
        c = c + jnp.concatenate([zero, c[:-s, :]], axis=0)
        s *= 2
    c_excl = c - ohs
    pos0 = jnp.sum(c_excl * oh0, axis=1, keepdims=True).astype(jnp.int32)
    pos1 = jnp.sum(c_excl * oh1, axis=1, keepdims=True).astype(jnp.int32)

    rows = lax.broadcasted_iota(jnp.int32, (T, 1), 0)
    dump = E * CAP + (rows % CAP)
    keep0 = pos0 < CAP
    keep1 = pos1 < CAP
    dd0_ref[...] = jnp.where(keep0, i0 * CAP + pos0, dump)
    dd1_ref[...] = jnp.where(keep1, i1 * CAP + pos1, dump)
    dc0_ref[...] = i0 * CAP + jnp.minimum(pos0, CAP - 1)
    dc1_ref[...] = i1 * CAP + jnp.minimum(pos1, CAP - 1)
    g0_ref[...] = jnp.where(keep0, gate0, 0.0)
    g1_ref[...] = jnp.where(keep1, gate1, 0.0)


def _router(x, router_weight):
    outs = pl.pallas_call(
        _router_body,
        out_shape=[
            jax.ShapeDtypeStruct((T, 1), jnp.int32),
            jax.ShapeDtypeStruct((T, 1), jnp.int32),
            jax.ShapeDtypeStruct((T, 1), jnp.int32),
            jax.ShapeDtypeStruct((T, 1), jnp.int32),
            jax.ShapeDtypeStruct((T, 1), jnp.float32),
            jax.ShapeDtypeStruct((T, 1), jnp.float32),
        ],
    )(x, router_weight)
    return outs



def _dispatch_body(x_hbm, dd0_hbm, dd1_hbm, xe_hbm, i0_v, i1_v, rows_v,
                   sem0, sem1):
    wid = lax.axis_index("s") * 2 + lax.axis_index("c")
    base = wid * TPW
    pltpu.sync_copy(x_hbm.at[pl.ds(base, TPW)], rows_v)
    pltpu.sync_copy(dd0_hbm.at[pl.ds(base, TPW)], i0_v)
    pltpu.sync_copy(dd1_hbm.at[pl.ds(base, TPW)], i1_v)
    c0 = pltpu.async_copy(rows_v, xe_hbm.at[i0_v], sem0)
    c1 = pltpu.async_copy(rows_v, xe_hbm.at[i1_v], sem1)
    c0.wait()
    c1.wait()


def _dispatch(x, dd0, dd1):
    mesh = plsc.VectorSubcoreMesh(core_axis_name="c", subcore_axis_name="s")
    fn = functools.partial(
        pl.kernel, mesh=mesh,
        out_type=jax.ShapeDtypeStruct((XE_ROWS, D), jnp.float32),
        scratch_types=[
            pltpu.VMEM((TPW,), jnp.int32),
            pltpu.VMEM((TPW,), jnp.int32),
            pltpu.VMEM((TPW, D), jnp.float32),
            pltpu.SemaphoreType.DMA,
            pltpu.SemaphoreType.DMA,
        ],
    )(_dispatch_body)
    return fn(x, dd0, dd1)



def _expert_body(xe_ref, gw_ref, uw_ref, dw_ref, gs_ref, us_ref, ds_ref,
                 ys_ref):
    h = xe_ref[...].astype(jnp.bfloat16)
    gw = gw_ref[0].astype(jnp.bfloat16)
    uw = uw_ref[0].astype(jnp.bfloat16)
    dn = (((1,), (1,)), ((), ()))
    g = lax.dot_general(h, gw, dn, preferred_element_type=jnp.float32)
    u = lax.dot_general(h, uw, dn, preferred_element_type=jnp.float32)
    g = g * gs_ref[0, 0, 0]
    u = u * us_ref[0, 0, 0]
    g = g / (1.0 + jnp.exp(-g))
    p = (g * u).astype(jnp.bfloat16)
    dw = dw_ref[0].astype(jnp.bfloat16)
    y = lax.dot_general(p, dw, dn, preferred_element_type=jnp.float32)
    ys_ref[...] = y * ds_ref[0, 0, 0]


def _experts(xe, eg_w, eg_s, eu_w, eu_s, ed_w, ed_s):
    smem1 = pl.BlockSpec((1, 1, 1), lambda e: (e, 0, 0),
                         memory_space=pltpu.SMEM)
    return pl.pallas_call(
        _expert_body,
        grid=(E,),
        in_specs=[
            pl.BlockSpec((CAP, D), lambda e: (e, 0)),
            pl.BlockSpec((1, I, D), lambda e: (e, 0, 0)),
            pl.BlockSpec((1, I, D), lambda e: (e, 0, 0)),
            pl.BlockSpec((1, D, I), lambda e: (e, 0, 0)),
            smem1, smem1, smem1,
        ],
        out_specs=pl.BlockSpec((CAP, D), lambda e: (e, 0)),
        out_shape=jax.ShapeDtypeStruct((E * CAP, D), jnp.float32),
        compiler_params=pltpu.CompilerParams(
            dimension_semantics=("arbitrary",)),
    )(xe[:E * CAP], eg_w, eu_w, ed_w,
      eg_s.reshape(E, 1, 1), eu_s.reshape(E, 1, 1), ed_s.reshape(E, 1, 1))



def _combine_body(ys_hbm, dc0_hbm, dc1_hbm, y0_hbm, y1_hbm,
                  i0_v, i1_v, r0_v, r1_v, sem0, sem1):
    wid = lax.axis_index("s") * 2 + lax.axis_index("c")
    base = wid * TPW
    pltpu.sync_copy(dc0_hbm.at[pl.ds(base, TPW)], i0_v)
    pltpu.sync_copy(dc1_hbm.at[pl.ds(base, TPW)], i1_v)
    c0 = pltpu.async_copy(ys_hbm.at[i0_v], r0_v, sem0)
    c1 = pltpu.async_copy(ys_hbm.at[i1_v], r1_v, sem1)
    c0.wait()
    pltpu.sync_copy(r0_v, y0_hbm.at[pl.ds(base, TPW)])
    c1.wait()
    pltpu.sync_copy(r1_v, y1_hbm.at[pl.ds(base, TPW)])


def _combine(ys, dc0, dc1):
    mesh = plsc.VectorSubcoreMesh(core_axis_name="c", subcore_axis_name="s")
    fn = functools.partial(
        pl.kernel, mesh=mesh,
        out_type=[
            jax.ShapeDtypeStruct((T, D), jnp.float32),
            jax.ShapeDtypeStruct((T, D), jnp.float32),
        ],
        scratch_types=[
            pltpu.VMEM((TPW,), jnp.int32),
            pltpu.VMEM((TPW,), jnp.int32),
            pltpu.VMEM((TPW, D), jnp.float32),
            pltpu.VMEM((TPW, D), jnp.float32),
            pltpu.SemaphoreType.DMA,
            pltpu.SemaphoreType.DMA,
        ],
    )(_combine_body)
    return fn(ys, dc0, dc1)



TT = 256


def _shared_body(x_ref, gw_ref, uw_ref, dw_ref, gs_ref, us_ref, ds_ref,
                 y0_ref, y1_ref, g0_ref, g1_ref, out_ref):
    xb = x_ref[...].astype(jnp.bfloat16)
    gw = gw_ref[...].astype(jnp.bfloat16)
    uw = uw_ref[...].astype(jnp.bfloat16)
    dn = (((1,), (1,)), ((), ()))
    g = lax.dot_general(xb, gw, dn, preferred_element_type=jnp.float32)
    u = lax.dot_general(xb, uw, dn, preferred_element_type=jnp.float32)
    g = g * gs_ref[0]
    u = u * us_ref[0]
    g = g / (1.0 + jnp.exp(-g))
    p = (g * u).astype(jnp.bfloat16)
    dw = dw_ref[...].astype(jnp.bfloat16)
    y = lax.dot_general(p, dw, dn, preferred_element_type=jnp.float32)
    y = y * ds_ref[0]
    out_ref[...] = y + g0_ref[...] * y0_ref[...] + g1_ref[...] * y1_ref[...]


def _shared(x, sg_w, sg_s, su_w, su_s, sd_w, sd_s, y0, y1, g0, g1):
    smem1 = pl.BlockSpec((1,), lambda i: (0,), memory_space=pltpu.SMEM)
    tok = pl.BlockSpec((TT, D), lambda i: (i, 0))
    gsp = pl.BlockSpec((TT, 1), lambda i: (i, 0))
    return pl.pallas_call(
        _shared_body,
        grid=(T // TT,),
        in_specs=[
            tok,
            pl.BlockSpec((I, D), lambda i: (0, 0)),
            pl.BlockSpec((I, D), lambda i: (0, 0)),
            pl.BlockSpec((D, I), lambda i: (0, 0)),
            smem1, smem1, smem1,
            tok, tok, gsp, gsp,
        ],
        out_specs=tok,
        out_shape=jax.ShapeDtypeStruct((T, D), jnp.float32),
        compiler_params=pltpu.CompilerParams(
            dimension_semantics=("arbitrary",)),
    )(x, sg_w, su_w, sd_w, sg_s, su_s, sd_s, y0, y1, g0, g1)



def kernel(x, router_weight, eg_w, eg_s, eu_w, eu_s, ed_w, ed_s,
           sg_w, sg_s, su_w, su_s, sd_w, sd_s):
    dd0, dd1, dc0, dc1, g0, g1 = _router(x, router_weight)
    xe = _dispatch(x, dd0.reshape(T), dd1.reshape(T))
    ys = _experts(xe, eg_w, eg_s, eu_w, eu_s, ed_w, ed_s)
    y0, y1 = _combine(ys, dc0.reshape(T), dc1.reshape(T))
    return _shared(x, sg_w, sg_s, su_w, su_s, sd_w, sd_s, y0, y1, g0, g1)

# --- scband reference (transcript-rebuilt; emitter-appended) ---
"""Pipeline reference for scband-outlier-paged-model-30992484008195 (READ-ONLY COPY).

The authoritative reference and input builder live on the scoring server;
editing this copy changes nothing except your own understanding.
"""

import jax, jax.numpy as jnp
import numpy as np

T = 2048
HIDDEN = 768
INTER = 2048
E = 64
TOPK = 2
CAP = 128  # ceil(T*TOPK/E * capacity_factor=2.0)


def _silu(v):
    return v * jax.nn.sigmoid(v)


def setup_inputs(seed: int = 0) -> dict:
    key = jax.random.key(seed)
    ks = jax.random.split(key, 16)
    x = jax.random.normal(ks[0], (T, HIDDEN), dtype=jnp.float32)
    router_weight = jax.random.normal(ks[1], (E, HIDDEN), dtype=jnp.float32) * 0.02
    # ternary paged expert weights {-1,0,+1} stored as int8, per-tensor (per-expert) scale
    eg_w = jax.random.randint(ks[2], (E, INTER, HIDDEN), -1, 2).astype(jnp.int8)
    eu_w = jax.random.randint(ks[3], (E, INTER, HIDDEN), -1, 2).astype(jnp.int8)
    ed_w = jax.random.randint(ks[4], (E, HIDDEN, INTER), -1, 2).astype(jnp.int8)
    eg_s = jax.random.uniform(ks[5], (E,), jnp.float32, 0.01, 0.05)
    eu_s = jax.random.uniform(ks[6], (E,), jnp.float32, 0.01, 0.05)
    ed_s = jax.random.uniform(ks[7], (E,), jnp.float32, 0.01, 0.05)
    # int8 shared expert (SwiGLU) with per-tensor scale
    sg_w = jax.random.randint(ks[8], (INTER, HIDDEN), -127, 128).astype(jnp.int8)
    su_w = jax.random.randint(ks[9], (INTER, HIDDEN), -127, 128).astype(jnp.int8)
    sd_w = jax.random.randint(ks[10], (HIDDEN, INTER), -127, 128).astype(jnp.int8)
    sg_s = jnp.full((1,), 0.0005, dtype=jnp.float32)
    su_s = jnp.full((1,), 0.0005, dtype=jnp.float32)
    sd_s = jnp.full((1,), 0.0005, dtype=jnp.float32)
    return {"x": x, "router_weight": router_weight,
            "eg_w": eg_w, "eg_s": eg_s, "eu_w": eu_w, "eu_s": eu_s,
            "ed_w": ed_w, "ed_s": ed_s,
            "sg_w": sg_w, "sg_s": sg_s, "su_w": su_w, "su_s": su_s,
            "sd_w": sd_w, "sd_s": sd_s}


def reference(x, router_weight, eg_w, eg_s, eu_w, eu_s, ed_w, ed_s,
              sg_w, sg_s, su_w, su_s, sd_w, sd_s):
    Tn, D = x.shape
    En = router_weight.shape[0]
    # router: logits -> softmax -> top-k -> renormalized gates
    logits = x @ router_weight.T                       # [T, E]
    probs = jax.nn.softmax(logits, axis=-1)
    top_vals, top_idx = jax.lax.top_k(probs, TOPK)     # [T, k]
    gates = top_vals / jnp.sum(top_vals, axis=-1, keepdims=True)
    idx_flat = top_idx.reshape(-1)                     # [T*k]
    gate_flat = gates.reshape(-1)                      # [T*k]
    # capacity-based dispatch (position within expert via cumsum of one-hot)
    ohf = jax.nn.one_hot(idx_flat, En, dtype=jnp.float32)        # [T*k, E]
    pos = jnp.sum((jnp.cumsum(ohf, axis=0) - 1.0) * ohf, axis=1).astype(jnp.int32)
    keep = (pos < CAP).astype(x.dtype)
    pos_c = jnp.clip(pos, 0, CAP - 1)
    x_rep = jnp.repeat(x, TOPK, axis=0)                # [T*k, D], matches row-major flatten of [T,k]
    xe = jnp.zeros((En, CAP, D), x.dtype).at[idx_flat, pos_c].add(x_rep * keep[:, None])
    # ternary SwiGLU experts, dequantized per-expert (never materialize all fp weights)
    ys = []
    for e in range(En):
        h = xe[e]                                      # [CAP, D]
        g = _silu((h @ eg_w[e].astype(jnp.float32).T) * eg_s[e])
        u = (h @ eu_w[e].astype(jnp.float32).T) * eu_s[e]
        ys.append(((g * u) @ ed_w[e].astype(jnp.float32).T) * ed_s[e])
    ys = jnp.stack(ys)                                 # [E, CAP, D]
    # combine: gather expert outputs back to token order, weight by gates
    y_tok = ys[idx_flat, pos_c] * (keep * gate_flat)[:, None]
    moe_out = y_tok.reshape(Tn, TOPK, D).sum(axis=1)
    # int8 shared expert SwiGLU
    sg = _silu((x @ sg_w.astype(jnp.float32).T) * sg_s[0])
    su = (x @ su_w.astype(jnp.float32).T) * su_s[0]
    shared_out = ((sg * su) @ sd_w.astype(jnp.float32).T) * sd_s[0]
    return shared_out + moe_out

if __name__ == "__main__":
    import jax
    _d = setup_inputs()
    print(jax.jit(kernel)(*tuple(_d.values())))

</pallas_src>

<mosaic_0001>
#map = affine_map<(d0, d1) -> (0, 0)>
#map1 = affine_map<(d0, d1) -> (0)>
module attributes {stable_mosaic.version = 14 : i64} {
  func.func @_dispatch_body(%arg0: i32, %arg1: i32, %arg2: memref<2048x768xf32, #tpu.memory_space<hbm>>, %arg3: memref<2048xi32, #tpu.memory_space<hbm>>, %arg4: memref<2048xi32, #tpu.memory_space<hbm>>, %arg5: memref<8320x768xf32, #tpu.memory_space<hbm>>, %arg6: memref<64xi32, #tpu.memory_space<vmem>>, %arg7: memref<64xi32, #tpu.memory_space<vmem>>, %arg8: memref<64x768xf32, #tpu.memory_space<vmem>>, %arg9: memref<!tpu.dma_semaphore, #tpu.memory_space<semaphore_mem>>, %arg10: memref<!tpu.dma_semaphore, #tpu.memory_space<semaphore_mem>>) attributes {dimension_semantics = [#tpu.dimension_semantics<core_parallel>, #tpu.dimension_semantics<subcore_parallel>], iteration_bounds = array<i64: 2, 16>, scalar_prefetch = 0 : i64, scratch_operands = 5 : i64, tpu.core_type = #tpu.core_type<sc_vector_subcore>, window_params = [{transform_indices = #map}, {transform_indices = #map1}, {transform_indices = #map1}, {transform_indices = #map}]} {
    %mul3A = arith.constant 2 : i32
    %mul3A_0 = arith.muli %arg1, %mul3A : i32
    %add3A = arith.addi %mul3A_0, %arg0 : i32
    %mul3A_1 = arith.constant 64 : i32
    %mul3A_2 = arith.muli %add3A, %mul3A_1 : i32
    "tpu.region"() ({
      %run_scoped3A = tpu.sem_alloc : memref<!tpu.dma_semaphore, #tpu.memory_space<semaphore_mem>>
      %dma_start3A_13 = arith.constant 0 : i32
      %dma_start3A_14 = tpu.memref_slice %arg2[%mul3A_2, %dma_start3A_13] : memref<2048x768xf32, #tpu.memory_space<hbm>> -> memref<64x768xf32, #tpu.memory_space<hbm>>
      %dma_start3A_15 = arith.constant 0 : i32
      %dma_start3A_16 = tpu.memref_slice %arg2[%mul3A_2, %dma_start3A_15] : memref<2048x768xf32, #tpu.memory_space<hbm>> -> memref<64x768xf32, #tpu.memory_space<hbm>>
      tpu.enqueue_dma source(%dma_start3A_16 : memref<64x768xf32, #tpu.memory_space<hbm>>) target(%arg8 : memref<64x768xf32, #tpu.memory_space<vmem>>) target_semaphore(%run_scoped3A : memref<!tpu.dma_semaphore, #tpu.memory_space<semaphore_mem>>)
      %dma_wait3A_17 = arith.constant 0 : i32
      %dma_wait3A_18 = tpu.memref_slice %arg2[%mul3A_2, %dma_wait3A_17] : memref<2048x768xf32, #tpu.memory_space<hbm>> -> memref<64x768xf32, #tpu.memory_space<hbm>>
      %dma_wait3A_19 = arith.constant 0 : i32
      %dma_wait3A_20 = tpu.memref_slice %arg2[%mul3A_2, %dma_wait3A_19] : memref<2048x768xf32, #tpu.memory_space<hbm>> -> memref<64x768xf32, #tpu.memory_space<hbm>>
      tpu.wait_dma2 semaphore(%run_scoped3A : memref<!tpu.dma_semaphore, #tpu.memory_space<semaphore_mem>>) src(%dma_wait3A_20 : memref<64x768xf32, #tpu.memory_space<hbm>>) dst(%arg8 : memref<64x768xf32, #tpu.memory_space<vmem>>)
      tpu.yield
    }) : () -> ()
    "tpu.region"() ({
      %run_scoped3A = tpu.sem_alloc : memref<!tpu.dma_semaphore, #tpu.memory_space<semaphore_mem>>
      %dma_start3A_13 = tpu.memref_slice %arg3[%mul3A_2] : memref<2048xi32, #tpu.memory_space<hbm>> -> memref<64xi32, #tpu.memory_space<hbm>>
      %dma_start3A_14 = tpu.memref_slice %arg3[%mul3A_2] : memref<2048xi32, #tpu.memory_space<hbm>> -> memref<64xi32, #tpu.memory_space<hbm>>
      tpu.enqueue_dma source(%dma_start3A_14 : memref<64xi32, #tpu.memory_space<hbm>>) target(%arg6 : memref<64xi32, #tpu.memory_space<vmem>>) target_semaphore(%run_scoped3A : memref<!tpu.dma_semaphore, #tpu.memory_space<semaphore_mem>>)
      %dma_wait3A_15 = tpu.memref_slice %arg3[%mul3A_2] : memref<2048xi32, #tpu.memory_space<hbm>> -> memref<64xi32, #tpu.memory_space<hbm>>
      %dma_wait3A_16 = tpu.memref_slice %arg3[%mul3A_2] : memref<2048xi32, #tpu.memory_space<hbm>> -> memref<64xi32, #tpu.memory_space<hbm>>
      tpu.wait_dma2 semaphore(%run_scoped3A : memref<!tpu.dma_semaphore, #tpu.memory_space<semaphore_mem>>) src(%dma_wait3A_16 : memref<64xi32, #tpu.memory_space<hbm>>) dst(%arg6 : memref<64xi32, #tpu.memory_space<vmem>>)
      tpu.yield
    }) : () -> ()
    "tpu.region"() ({
      %run_scoped3A = tpu.sem_alloc : memref<!tpu.dma_semaphore, #tpu.memory_space<semaphore_mem>>
      %dma_start3A_13 = tpu.memref_slice %arg4[%mul3A_2] : memref<2048xi32, #tpu.memory_space<hbm>> -> memref<64xi32, #tpu.memory_space<hbm>>
      %dma_start3A_14 = tpu.memref_slice %arg4[%mul3A_2] : memref<2048xi32, #tpu.memory_space<hbm>> -> memref<64xi32, #tpu.memory_space<hbm>>
      tpu.enqueue_dma source(%dma_start3A_14 : memref<64xi32, #tpu.memory_space<hbm>>) target(%arg7 : memref<64xi32, #tpu.memory_space<vmem>>) target_semaphore(%run_scoped3A : memref<!tpu.dma_semaphore, #tpu.memory_space<semaphore_mem>>)
      %dma_wait3A_15 = tpu.memref_slice %arg4[%mul3A_2] : memref<2048xi32, #tpu.memory_space<hbm>> -> memref<64xi32, #tpu.memory_space<hbm>>
      %dma_wait3A_16 = tpu.memref_slice %arg4[%mul3A_2] : memref<2048xi32, #tpu.memory_space<hbm>> -> memref<64xi32, #tpu.memory_space<hbm>>
      tpu.wait_dma2 semaphore(%run_scoped3A : memref<!tpu.dma_semaphore, #tpu.memory_space<semaphore_mem>>) src(%dma_wait3A_16 : memref<64xi32, #tpu.memory_space<hbm>>) dst(%arg7 : memref<64xi32, #tpu.memory_space<vmem>>)
      tpu.yield
    }) : () -> ()
    %dma_start3A = arith.constant 0 : i32
    %dma_start3A_3 = arith.constant 0 : i32
    %dma_start3A_4 = tpu.memref_slice %arg5[%dma_start3A, %dma_start3A_3] : memref<8320x768xf32, #tpu.memory_space<hbm>> -> memref<8320x768xf32, #tpu.memory_space<hbm>>
    tpu.enqueue_indirect_dma source(%arg8 : memref<64x768xf32, #tpu.memory_space<vmem>>) target(%dma_start3A_4 : memref<8320x768xf32, #tpu.memory_space<hbm>>) offsets(%arg6 : memref<64xi32, #tpu.memory_space<vmem>>) semaphore(%arg9 : memref<!tpu.dma_semaphore, #tpu.memory_space<semaphore_mem>>)
    %dma_start3A_5 = arith.constant 0 : i32
    %dma_start3A_6 = arith.constant 0 : i32
    %dma_start3A_7 = tpu.memref_slice %arg5[%dma_start3A_5, %dma_start3A_6] : memref<8320x768xf32, #tpu.memory_space<hbm>> -> memref<8320x768xf32, #tpu.memory_space<hbm>>
    tpu.enqueue_indirect_dma source(%arg8 : memref<64x768xf32, #tpu.memory_space<vmem>>) target(%dma_start3A_7 : memref<8320x768xf32, #tpu.memory_space<hbm>>) offsets(%arg7 : memref<64xi32, #tpu.memory_space<vmem>>) semaphore(%arg10 : memref<!tpu.dma_semaphore, #tpu.memory_space<semaphore_mem>>)
    %dma_wait3A = arith.constant 0 : i32
    %dma_wait3A_8 = arith.constant 0 : i32
    %dma_wait3A_9 = tpu.memref_slice %arg5[%dma_wait3A, %dma_wait3A_8] : memref<8320x768xf32, #tpu.memory_space<hbm>> -> memref<8320x768xf32, #tpu.memory_space<hbm>>
    tpu.wait_indirect_dma semaphore(%arg9 : memref<!tpu.dma_semaphore, #tpu.memory_space<semaphore_mem>>) src(%arg8 : memref<64x768xf32, #tpu.memory_space<vmem>>) dst(%dma_wait3A_9 : memref<8320x768xf32, #tpu.memory_space<hbm>>)
    %dma_wait3A_10 = arith.constant 0 : i32
    %dma_wait3A_11 = arith.constant 0 : i32
    %dma_wait3A_12 = tpu.memref_slice %arg5[%dma_wait3A_10, %dma_wait3A_11] : memref<8320x768xf32, #tpu.memory_space<hbm>> -> memref<8320x768xf32, #tpu.memory_space<hbm>>
    tpu.wait_indirect_dma semaphore(%arg10 : memref<!tpu.dma_semaphore, #tpu.memory_space<semaphore_mem>>) src(%arg8 : memref<64x768xf32, #tpu.memory_space<vmem>>) dst(%dma_wait3A_12 : memref<8320x768xf32, #tpu.memory_space<hbm>>)
    return
  }
}

#map = affine_map<(d0, d1) -> (0, 0)>
#map1 = affine_map<(d0, d1) -> (0)>
module attributes {stable_mosaic.version = 14 : i64} {
  func.func @_combine_body(%arg0: i32, %arg1: i32, %arg2: memref<8192x768xf32, #tpu.memory_space<hbm>>, %arg3: memref<2048xi32, #tpu.memory_space<hbm>>, %arg4: memref<2048xi32, #tpu.memory_space<hbm>>, %arg5: memref<2048x768xf32, #tpu.memory_space<hbm>>, %arg6: memref<2048x768xf32, #tpu.memory_space<hbm>>, %arg7: memref<64xi32, #tpu.memory_space<vmem>>, %arg8: memref<64xi32, #tpu.memory_space<vmem>>, %arg9: memref<64x768xf32, #tpu.memory_space<vmem>>, %arg10: memref<64x768xf32, #tpu.memory_space<vmem>>, %arg11: memref<!tpu.dma_semaphore, #tpu.memory_space<semaphore_mem>>, %arg12: memref<!tpu.dma_semaphore, #tpu.memory_space<semaphore_mem>>) attributes {dimension_semantics = [#tpu.dimension_semantics<core_parallel>, #tpu.dimension_semantics<subcore_parallel>], iteration_bounds = array<i64: 2, 16>, scalar_prefetch = 0 : i64, scratch_operands = 6 : i64, tpu.core_type = #tpu.core_type<sc_vector_subcore>, window_params = [{transform_indices = #map}, {transform_indices = #map1}, {transform_indices = #map1}, {transform_indices = #map}, {transform_indices = #map}]} {
    %mul3A = arith.constant 2 : i32
    %mul3A_0 = arith.muli %arg1, %mul3A : i32
    %add3A = arith.addi %mul3A_0, %arg0 : i32
    %mul3A_1 = arith.constant 64 : i32
    %mul3A_2 = arith.muli %add3A, %mul3A_1 : i32
    "tpu.region"() ({
      %run_scoped3A = tpu.sem_alloc : memref<!tpu.dma_semaphore, #tpu.memory_space<semaphore_mem>>
      %dma_start3A_13 = tpu.memref_slice %arg3[%mul3A_2] : memref<2048xi32, #tpu.memory_space<hbm>> -> memref<64xi32, #tpu.memory_space<hbm>>
      %dma_start3A_14 = tpu.memref_slice %arg3[%mul3A_2] : memref<2048xi32, #tpu.memory_space<hbm>> -> memref<64xi32, #tpu.memory_space<hbm>>
      tpu.enqueue_dma source(%dma_start3A_14 : memref<64xi32, #tpu.memory_space<hbm>>) target(%arg7 : memref<64xi32, #tpu.memory_space<vmem>>) target_semaphore(%run_scoped3A : memref<!tpu.dma_semaphore, #tpu.memory_space<semaphore_mem>>)
      %dma_wait3A_15 = tpu.memref_slice %arg3[%mul3A_2] : memref<2048xi32, #tpu.memory_space<hbm>> -> memref<64xi32, #tpu.memory_space<hbm>>
      %dma_wait3A_16 = tpu.memref_slice %arg3[%mul3A_2] : memref<2048xi32, #tpu.memory_space<hbm>> -> memref<64xi32, #tpu.memory_space<hbm>>
      tpu.wait_dma2 semaphore(%run_scoped3A : memref<!tpu.dma_semaphore, #tpu.memory_space<semaphore_mem>>) src(%dma_wait3A_16 : memref<64xi32, #tpu.memory_space<hbm>>) dst(%arg7 : memref<64xi32, #tpu.memory_space<vmem>>)
      tpu.yield
    }) : () -> ()
    "tpu.region"() ({
      %run_scoped3A = tpu.sem_alloc : memref<!tpu.dma_semaphore, #tpu.memory_space<semaphore_mem>>
      %dma_start3A_13 = tpu.memref_slice %arg4[%mul3A_2] : memref<2048xi32, #tpu.memory_space<hbm>> -> memref<64xi32, #tpu.memory_space<hbm>>
      %dma_start3A_14 = tpu.memref_slice %arg4[%mul3A_2] : memref<2048xi32, #tpu.memory_space<hbm>> -> memref<64xi32, #tpu.memory_space<hbm>>
      tpu.enqueue_dma source(%dma_start3A_14 : memref<64xi32, #tpu.memory_space<hbm>>) target(%arg8 : memref<64xi32, #tpu.memory_space<vmem>>) target_semaphore(%run_scoped3A : memref<!tpu.dma_semaphore, #tpu.memory_space<semaphore_mem>>)
      %dma_wait3A_15 = tpu.memref_slice %arg4[%mul3A_2] : memref<2048xi32, #tpu.memory_space<hbm>> -> memref<64xi32, #tpu.memory_space<hbm>>
      %dma_wait3A_16 = tpu.memref_slice %arg4[%mul3A_2] : memref<2048xi32, #tpu.memory_space<hbm>> -> memref<64xi32, #tpu.memory_space<hbm>>
      tpu.wait_dma2 semaphore(%run_scoped3A : memref<!tpu.dma_semaphore, #tpu.memory_space<semaphore_mem>>) src(%dma_wait3A_16 : memref<64xi32, #tpu.memory_space<hbm>>) dst(%arg8 : memref<64xi32, #tpu.memory_space<vmem>>)
      tpu.yield
    }) : () -> ()
    %dma_start3A = arith.constant 0 : i32
    %dma_start3A_3 = arith.constant 0 : i32
    %dma_start3A_4 = tpu.memref_slice %arg2[%dma_start3A, %dma_start3A_3] : memref<8192x768xf32, #tpu.memory_space<hbm>> -> memref<8192x768xf32, #tpu.memory_space<hbm>>
    tpu.enqueue_indirect_dma source(%dma_start3A_4 : memref<8192x768xf32, #tpu.memory_space<hbm>>) target(%arg9 : memref<64x768xf32, #tpu.memory_space<vmem>>) offsets(%arg7 : memref<64xi32, #tpu.memory_space<vmem>>) semaphore(%arg11 : memref<!tpu.dma_semaphore, #tpu.memory_space<semaphore_mem>>)
    %dma_start3A_5 = arith.constant 0 : i32
    %dma_start3A_6 = arith.constant 0 : i32
    %dma_start3A_7 = tpu.memref_slice %arg2[%dma_start3A_5, %dma_start3A_6] : memref<8192x768xf32, #tpu.memory_space<hbm>> -> memref<8192x768xf32, #tpu.memory_space<hbm>>
    tpu.enqueue_indirect_dma source(%dma_start3A_7 : memref<8192x768xf32, #tpu.memory_space<hbm>>) target(%arg10 : memref<64x768xf32, #tpu.memory_space<vmem>>) offsets(%arg8 : memref<64xi32, #tpu.memory_space<vmem>>) semaphore(%arg12 : memref<!tpu.dma_semaphore, #tpu.memory_space<semaphore_mem>>)
    %dma_wait3A = arith.constant 0 : i32
    %dma_wait3A_8 = arith.constant 0 : i32
    %dma_wait3A_9 = tpu.memref_slice %arg2[%dma_wait3A, %dma_wait3A_8] : memref<8192x768xf32, #tpu.memory_space<hbm>> -> memref<8192x768xf32, #tpu.memory_space<hbm>>
    tpu.wait_indirect_dma semaphore(%arg11 : memref<!tpu.dma_semaphore, #tpu.memory_space<semaphore_mem>>) src(%dma_wait3A_9 : memref<8192x768xf32, #tpu.memory_space<hbm>>) dst(%arg9 : memref<64x768xf32, #tpu.memory_space<vmem>>)
    "tpu.region"() ({
      %run_scoped3A = tpu.sem_alloc : memref<!tpu.dma_semaphore, #tpu.memory_space<semaphore_mem>>
      %dma_start3A_13 = arith.constant 0 : i32
      %dma_start3A_14 = tpu.memref_slice %arg5[%mul3A_2, %dma_start3A_13] : memref<2048x768xf32, #tpu.memory_space<hbm>> -> memref<64x768xf32, #tpu.memory_space<hbm>>
      %dma_start3A_15 = arith.constant 0 : i32
      %dma_start3A_16 = tpu.memref_slice %arg5[%mul3A_2, %dma_start3A_15] : memref<2048x768xf32, #tpu.memory_space<hbm>> -> memref<64x768xf32, #tpu.memory_space<hbm>>
      tpu.enqueue_dma source(%arg9 : memref<64x768xf32, #tpu.memory_space<vmem>>) target(%dma_start3A_16 : memref<64x768xf32, #tpu.memory_space<hbm>>) target_semaphore(%run_scoped3A : memref<!tpu.dma_semaphore, #tpu.memory_space<semaphore_mem>>)
      %dma_wait3A_17 = arith.constant 0 : i32
      %dma_wait3A_18 = tpu.memref_slice %arg5[%mul3A_2, %dma_wait3A_17] : memref<2048x768xf32, #tpu.memory_space<hbm>> -> memref<64x768xf32, #tpu.memory_space<hbm>>
      %dma_wait3A_19 = arith.constant 0 : i32
      %dma_wait3A_20 = tpu.memref_slice %arg5[%mul3A_2, %dma_wait3A_19] : memref<2048x768xf32, #tpu.memory_space<hbm>> -> memref<64x768xf32, #tpu.memory_space<hbm>>
      tpu.wait_dma2 semaphore(%run_scoped3A : memref<!tpu.dma_semaphore, #tpu.memory_space<semaphore_mem>>) src(%arg9 : memref<64x768xf32, #tpu.memory_space<vmem>>) dst(%dma_wait3A_20 : memref<64x768xf32, #tpu.memory_space<hbm>>)
      tpu.yield
    }) : () -> ()
    %dma_wait3A_10 = arith.constant 0 : i32
    %dma_wait3A_11 = arith.constant 0 : i32
    %dma_wait3A_12 = tpu.memref_slice %arg2[%dma_wait3A_10, %dma_wait3A_11] : memref<8192x768xf32, #tpu.memory_space<hbm>> -> memref<8192x768xf32, #tpu.memory_space<hbm>>
    tpu.wait_indirect_dma semaphore(%arg12 : memref<!tpu.dma_semaphore, #tpu.memory_space<semaphore_mem>>) src(%dma_wait3A_12 : memref<8192x768xf32, #tpu.memory_space<hbm>>) dst(%arg10 : memref<64x768xf32, #tpu.memory_space<vmem>>)
    "tpu.region"() ({
      %run_scoped3A = tpu.sem_alloc : memref<!tpu.dma_semaphore, #tpu.memory_space<semaphore_mem>>
      %dma_start3A_13 = arith.constant 0 : i32
      %dma_start3A_14 = tpu.memref_slice %arg6[%mul3A_2, %dma_start3A_13] : memref<2048x768xf32, #tpu.memory_space<hbm>> -> memref<64x768xf32, #tpu.memory_space<hbm>>
      %dma_start3A_15 = arith.constant 0 : i32
      %dma_start3A_16 = tpu.memref_slice %arg6[%mul3A_2, %dma_start3A_15] : memref<2048x768xf32, #tpu.memory_space<hbm>> -> memref<64x768xf32, #tpu.memory_space<hbm>>
      tpu.enqueue_dma source(%arg10 : memref<64x768xf32, #tpu.memory_space<vmem>>) target(%dma_start3A_16 : memref<64x768xf32, #tpu.memory_space<hbm>>) target_semaphore(%run_scoped3A : memref<!tpu.dma_semaphore, #tpu.memory_space<semaphore_mem>>)
      %dma_wait3A_17 = arith.constant 0 : i32
      %dma_wait3A_18 = tpu.memref_slice %arg6[%mul3A_2, %dma_wait3A_17] : memref<2048x768xf32, #tpu.memory_space<hbm>> -> memref<64x768xf32, #tpu.memory_space<hbm>>
      %dma_wait3A_19 = arith.constant 0 : i32
      %dma_wait3A_20 = tpu.memref_slice %arg6[%mul3A_2, %dma_wait3A_19] : memref<2048x768xf32, #tpu.memory_space<hbm>> -> memref<64x768xf32, #tpu.memory_space<hbm>>
      tpu.wait_dma2 semaphore(%run_scoped3A : memref<!tpu.dma_semaphore, #tpu.memory_space<semaphore_mem>>) src(%arg10 : memref<64x768xf32, #tpu.memory_space<vmem>>) dst(%dma_wait3A_20 : memref<64x768xf32, #tpu.memory_space<hbm>>)
      tpu.yield
    }) : () -> ()
    return
  }
}

module attributes {stable_mosaic.version = 14 : i64} {
  func.func @_expert_body(%arg0: i32, %arg1: memref<128x768xf32, #tpu.memory_space<vmem>>, %arg2: memref<1x2048x768xi8, #tpu.memory_space<vmem>>, %arg3: memref<1x2048x768xi8, #tpu.memory_space<vmem>>, %arg4: memref<1x768x2048xi8, #tpu.memory_space<vmem>>, %arg5: memref<1x1x1xf32, #tpu.memory_space<smem>>, %arg6: memref<1x1x1xf32, #tpu.memory_space<smem>>, %arg7: memref<1x1x1xf32, #tpu.memory_space<smem>>, %arg8: memref<128x768xf32, #tpu.memory_space<vmem>>) attributes {dimension_semantics = [#tpu.dimension_semantics<arbitrary>], iteration_bounds = array<i64: 64>, scalar_prefetch = 0 : i64, scratch_operands = 0 : i64, tpu.core_type = #tpu.core_type<tc>, window_params = [{transform_indices = @transform_0, window_bounds = array<i64: 128, 768>}, {transform_indices = @transform_1, window_bounds = array<i64: 1, 2048, 768>}, {transform_indices = @transform_2, window_bounds = array<i64: 1, 2048, 768>}, {transform_indices = @transform_3, window_bounds = array<i64: 1, 768, 2048>}, {transform_indices = @transform_4, window_bounds = array<i64: 1, 1, 1>}, {transform_indices = @transform_5, window_bounds = array<i64: 1, 1, 1>}, {transform_indices = @transform_6, window_bounds = array<i64: 1, 1, 1>}, {transform_indices = @transform_7, window_bounds = array<i64: 128, 768>}]} {
    %get3A = arith.constant 0 : index
    %get3A_0 = arith.constant 0 : index
    %get3A_1 = vector.load %arg1[%get3A, %get3A_0] : memref<128x768xf32, #tpu.memory_space<vmem>>, vector<128x768xf32>
    %convert_element_type3A = arith.truncf %get3A_1 : vector<128x768xf32> to vector<128x768xbf16>
    %get3A_2 = arith.constant 0 : index
    %get3A_3 = arith.constant 0 : index
    %get3A_4 = arith.constant 0 : index
    %get3A_5 = vector.load %arg2[%get3A_2, %get3A_3, %get3A_4] : memref<1x2048x768xi8, #tpu.memory_space<vmem>>, vector<1x2048x768xi8>
    %get3A_6 = vector.shape_cast %get3A_5 : vector<1x2048x768xi8> to vector<2048x768xi8>
    %convert_element_type3A_7 = arith.sitofp %get3A_6 : vector<2048x768xi8> to vector<2048x768xbf16>
    %get3A_8 = arith.constant 0 : index
    %get3A_9 = arith.constant 0 : index
    %get3A_10 = arith.constant 0 : index
    %get3A_11 = vector.load %arg3[%get3A_8, %get3A_9, %get3A_10] : memref<1x2048x768xi8, #tpu.memory_space<vmem>>, vector<1x2048x768xi8>
    %get3A_12 = vector.shape_cast %get3A_11 : vector<1x2048x768xi8> to vector<2048x768xi8>
    %convert_element_type3A_13 = arith.sitofp %get3A_12 : vector<2048x768xi8> to vector<2048x768xbf16>
    %dot_general3A = arith.constant dense<0.000000e+00> : vector<128x2048xf32>
    %dot_general3A_14 = tpu.matmul %convert_element_type3A, %convert_element_type3A_7, %dot_general3A {dimension_numbers = #tpu.dot_dimension_numbers<[1], [1], [0], [0], [0, 0, 1, 0], [], []>, transpose_lhs_hint = false} : vector<128x768xbf16>, vector<2048x768xbf16>, vector<128x2048xf32> -> vector<128x2048xf32>
    %dot_general3A_15 = arith.constant dense<0.000000e+00> : vector<128x2048xf32>
    %dot_general3A_16 = tpu.matmul %convert_element_type3A, %convert_element_type3A_13, %dot_general3A_15 {dimension_numbers = #tpu.dot_dimension_numbers<[1], [1], [0], [0], [0, 0, 1, 0], [], []>, transpose_lhs_hint = false} : vector<128x768xbf16>, vector<2048x768xbf16>, vector<128x2048xf32> -> vector<128x2048xf32>
    %get3A_17 = arith.constant 0 : index
    %get3A_18 = arith.constant 0 : index
    %get3A_19 = arith.constant 0 : index
    %get3A_20 = memref.load %arg5[%get3A_17, %get3A_18, %get3A_19] : memref<1x1x1xf32, #tpu.memory_space<smem>>
    %mul3A = vector.broadcast %get3A_20 : f32 to vector<128x2048xf32>
    %mul3A_21 = arith.mulf %dot_general3A_14, %mul3A : vector<128x2048xf32>
    %get3A_22 = arith.constant 0 : index
    %get3A_23 = arith.constant 0 : index
    %get3A_24 = arith.constant 0 : index
    %get3A_25 = memref.load %arg6[%get3A_22, %get3A_23, %get3A_24] : memref<1x1x1xf32, #tpu.memory_space<smem>>
    %mul3A_26 = vector.broadcast %get3A_25 : f32 to vector<128x2048xf32>
    %mul3A_27 = arith.mulf %dot_general3A_16, %mul3A_26 : vector<128x2048xf32>
    %neg3A = arith.constant 0.000000e+00 : f32
    %neg3A_28 = vector.broadcast %neg3A : f32 to vector<128x2048xf32>
    %neg3A_29 = arith.subf %neg3A_28, %mul3A_21 : vector<128x2048xf32>
    %exp3A = math.exp %neg3A_29 : vector<128x2048xf32>
    %add3A = arith.constant 1.000000e+00 : f32
    %add3A_30 = vector.broadcast %add3A : f32 to vector<128x2048xf32>
    %add3A_31 = arith.addf %add3A_30, %exp3A : vector<128x2048xf32>
    %div3A = arith.divf %mul3A_21, %add3A_31 : vector<128x2048xf32>
    %mul3A_32 = arith.mulf %div3A, %mul3A_27 : vector<128x2048xf32>
    %convert_element_type3A_33 = arith.truncf %mul3A_32 : vector<128x2048xf32> to vector<128x2048xbf16>
    %get3A_34 = arith.constant 0 : index
    %get3A_35 = arith.constant 0 : index
    %get3A_36 = arith.constant 0 : index
    %get3A_37 = vector.load %arg4[%get3A_34, %get3A_35, %get3A_36] : memref<1x768x2048xi8, #tpu.memory_space<vmem>>, vector<1x768x2048xi8>
    %get3A_38 = vector.shape_cast %get3A_37 : vector<1x768x2048xi8> to vector<768x2048xi8>
    %convert_element_type3A_39 = arith.sitofp %get3A_38 : vector<768x2048xi8> to vector<768x2048xbf16>
    %dot_general3A_40 = arith.constant dense<0.000000e+00> : vector<128x768xf32>
    %dot_general3A_41 = tpu.matmul %convert_element_type3A_33, %convert_element_type3A_39, %dot_general3A_40 {dimension_numbers = #tpu.dot_dimension_numbers<[1], [1], [0], [0], [0, 0, 1, 0], [], []>, transpose_lhs_hint = false} : vector<128x2048xbf16>, vector<768x2048xbf16>, vector<128x768xf32> -> vector<128x768xf32>
    %get3A_42 = arith.constant 0 : index
    %get3A_43 = arith.constant 0 : index
    %get3A_44 = arith.constant 0 : index
    %get3A_45 = memref.load %arg7[%get3A_42, %get3A_43, %get3A_44] : memref<1x1x1xf32, #tpu.memory_space<smem>>
    %mul3A_46 = vector.broadcast %get3A_45 : f32 to vector<128x768xf32>
    %mul3A_47 = arith.mulf %dot_general3A_41, %mul3A_46 : vector<128x768xf32>
    %swap3A = arith.constant 0 : index
    %swap3A_48 = arith.constant 0 : index
    %swap3A_49 = vector.load %arg8[%swap3A, %swap3A_48] : memref<128x768xf32, #tpu.memory_space<vmem>>, vector<128x768xf32>
    tpu.vector_store %arg8[%swap3A, %swap3A_48], %mul3A_47 {strides = array<i32>} : memref<128x768xf32, #tpu.memory_space<vmem>>, vector<128x768xf32>,
    return
  }
  func.func @transform_0(%arg0: i32) -> (i32, i32) {
    %c0_i32 = arith.constant 0 : i32
    %c0_i32_0 = arith.constant 0 : i32
    return %arg0, %c0_i32 : i32, i32
  }
  func.func @transform_1(%arg0: i32) -> (i32, i32, i32) {
    %c0_i32 = arith.constant 0 : i32
    %c0_i32_0 = arith.constant 0 : i32
    %c0_i32_1 = arith.constant 0 : i32
    return %arg0, %c0_i32, %c0_i32_0 : i32, i32, i32
  }
  func.func @transform_2(%arg0: i32) -> (i32, i32, i32) {
    %c0_i32 = arith.constant 0 : i32
    %c0_i32_0 = arith.constant 0 : i32
    %c0_i32_1 = arith.constant 0 : i32
    return %arg0, %c0_i32, %c0_i32_0 : i32, i32, i32
  }
  func.func @transform_3(%arg0: i32) -> (i32, i32, i32) {
    %c0_i32 = arith.constant 0 : i32
    %c0_i32_0 = arith.constant 0 : i32
    %c0_i32_1 = arith.constant 0 : i32
    return %arg0, %c0_i32, %c0_i32_0 : i32, i32, i32
  }
  func.func @transform_4(%arg0: i32) -> (i32, i32, i32) {
    %c0_i32 = arith.constant 0 : i32
    %c0_i32_0 = arith.constant 0 : i32
    %c0_i32_1 = arith.constant 0 : i32
    return %arg0, %c0_i32, %c0_i32_0 : i32, i32, i32
  }
  func.func @transform_5(%arg0: i32) -> (i32, i32, i32) {
    %c0_i32 = arith.constant 0 : i32
    %c0_i32_0 = arith.constant 0 : i32
    %c0_i32_1 = arith.constant 0 : i32
    return %arg0, %c0_i32, %c0_i32_0 : i32, i32, i32
  }
  func.func @transform_6(%arg0: i32) -> (i32, i32, i32) {
    %c0_i32 = arith.constant 0 : i32
    %c0_i32_0 = arith.constant 0 : i32
    %c0_i32_1 = arith.constant 0 : i32
    return %arg0, %c0_i32, %c0_i32_0 : i32, i32, i32
  }
  func.func @transform_7(%arg0: i32) -> (i32, i32) {
    %c0_i32 = arith.constant 0 : i32
    %c0_i32_0 = arith.constant 0 : i32
    return %arg0, %c0_i32 : i32, i32
  }
}

module attributes {stable_mosaic.version = 14 : i64} {
  func.func @_router_body(%arg0: memref<2048x768xf32, #tpu.memory_space<vmem>>, %arg1: memref<64x768xf32, #tpu.memory_space<vmem>>, %arg2: memref<2048x1xi32, #tpu.memory_space<vmem>>, %arg3: memref<2048x1xi32, #tpu.memory_space<vmem>>, %arg4: memref<2048x1xi32, #tpu.memory_space<vmem>>, %arg5: memref<2048x1xi32, #tpu.memory_space<vmem>>, %arg6: memref<2048x1xf32, #tpu.memory_space<vmem>>, %arg7: memref<2048x1xf32, #tpu.memory_space<vmem>>) attributes {dimension_semantics = [], scalar_prefetch = 0 : i64, scratch_operands = 0 : i64, tpu.core_type = #tpu.core_type<tc>} {
    %get3A = arith.constant 0 : index
    %get3A_0 = arith.constant 0 : index
    %get3A_1 = vector.load %arg0[%get3A, %get3A_0] : memref<2048x768xf32, #tpu.memory_space<vmem>>, vector<2048x768xf32>
    %get3A_2 = arith.constant 0 : index
    %get3A_3 = arith.constant 0 : index
    %get3A_4 = vector.load %arg1[%get3A_2, %get3A_3] : memref<64x768xf32, #tpu.memory_space<vmem>>, vector<64x768xf32>
    %convert_element_type3A = arith.truncf %get3A_1 : vector<2048x768xf32> to vector<2048x768xbf16>
    %convert_element_type3A_5 = arith.truncf %get3A_4 : vector<64x768xf32> to vector<64x768xbf16>
    %dot_general3A = arith.constant dense<0.000000e+00> : vector<2048x64xf32>
    %dot_general3A_6 = tpu.matmul %convert_element_type3A, %convert_element_type3A_5, %dot_general3A {dimension_numbers = #tpu.dot_dimension_numbers<[1], [1], [0], [0], [0, 0, 1, 0], [], []>, transpose_lhs_hint = false} : vector<2048x768xbf16>, vector<64x768xbf16>, vector<2048x64xf32> -> vector<2048x64xf32>
    %reduce_max3A = arith.constant dense<0xFF800000> : vector<2048xf32>
    %reduce_max3A_7 = vector.multi_reduction <maximumf>, %dot_general3A_6, %reduce_max3A [1] : vector<2048x64xf32> to vector<2048xf32>
    %broadcast_in_dim3A = vector.shape_cast %reduce_max3A_7 : vector<2048xf32> to vector<2048x1xf32>
    %sub3A = vector.broadcast %broadcast_in_dim3A : vector<2048x1xf32> to vector<2048x64xf32>
    %sub3A_8 = arith.subf %dot_general3A_6, %sub3A : vector<2048x64xf32>
    %exp3A = math.exp %sub3A_8 : vector<2048x64xf32>
    %reduce_sum3A = arith.constant dense<0.000000e+00> : vector<2048xf32>
    %reduce_sum3A_9 = vector.multi_reduction <add>, %exp3A, %reduce_sum3A [1] : vector<2048x64xf32> to vector<2048xf32>
    %broadcast_in_dim3A_10 = vector.shape_cast %reduce_sum3A_9 : vector<2048xf32> to vector<2048x1xf32>
    %div3A = vector.broadcast %broadcast_in_dim3A_10 : vector<2048x1xf32> to vector<2048x64xf32>
    %div3A_11 = arith.divf %exp3A, %div3A : vector<2048x64xf32>
    %iota3A = tpu.iota {dimensions = array<i32: 1>} : vector<2048x64xi32>
    %reduce_max3A_12 = arith.constant dense<0xFF800000> : vector<2048xf32>
    %reduce_max3A_13 = vector.multi_reduction <maximumf>, %div3A_11, %reduce_max3A_12 [1] : vector<2048x64xf32> to vector<2048xf32>
    %broadcast_in_dim3A_14 = vector.shape_cast %reduce_max3A_13 : vector<2048xf32> to vector<2048x1xf32>
    %eq3A = vector.broadcast %broadcast_in_dim3A_14 : vector<2048x1xf32> to vector<2048x64xf32>
    %eq3A_15 = arith.cmpf oeq, %div3A_11, %eq3A : vector<2048x64xf32>
    %jit3A = arith.constant 64 : i32
    %broadcast_in_dim3A_16 = vector.broadcast %jit3A : i32 to vector<2048x64xi32>
    %select_n3A = arith.select %eq3A_15, %iota3A, %broadcast_in_dim3A_16 : vector<2048x64xi1>, vector<2048x64xi32>
    %reduce_min3A = arith.constant dense<2147483647> : vector<2048xi32>
    %reduce_min3A_17 = vector.multi_reduction <minsi>, %select_n3A, %reduce_min3A [1] : vector<2048x64xi32> to vector<2048xi32>
    %broadcast_in_dim3A_18 = vector.shape_cast %reduce_min3A_17 : vector<2048xi32> to vector<2048x1xi32>
    %eq3A_19 = vector.broadcast %broadcast_in_dim3A_18 : vector<2048x1xi32> to vector<2048x64xi32>
    %eq3A_20 = arith.cmpi eq, %iota3A, %eq3A_19 : vector<2048x64xi32>
    %jit3A_21 = arith.constant 0xFF800000 : f32
    %broadcast_in_dim3A_22 = vector.broadcast %jit3A_21 : f32 to vector<2048x64xf32>
    %select_n3A_23 = arith.select %eq3A_20, %broadcast_in_dim3A_22, %div3A_11 : vector<2048x64xi1>, vector<2048x64xf32>
    %reduce_max3A_24 = arith.constant dense<0xFF800000> : vector<2048xf32>
    %reduce_max3A_25 = vector.multi_reduction <maximumf>, %select_n3A_23, %reduce_max3A_24 [1] : vector<2048x64xf32> to vector<2048xf32>
    %broadcast_in_dim3A_26 = vector.shape_cast %reduce_max3A_25 : vector<2048xf32> to vector<2048x1xf32>
    %eq3A_27 = vector.broadcast %broadcast_in_dim3A_26 : vector<2048x1xf32> to vector<2048x64xf32>
    %eq3A_28 = arith.cmpf oeq, %select_n3A_23, %eq3A_27 : vector<2048x64xf32>
    %jit3A_29 = arith.constant 64 : i32
    %broadcast_in_dim3A_30 = vector.broadcast %jit3A_29 : i32 to vector<2048x64xi32>
    %select_n3A_31 = arith.select %eq3A_28, %iota3A, %broadcast_in_dim3A_30 : vector<2048x64xi1>, vector<2048x64xi32>
    %reduce_min3A_32 = arith.constant dense<2147483647> : vector<2048xi32>
    %reduce_min3A_33 = vector.multi_reduction <minsi>, %select_n3A_31, %reduce_min3A_32 [1] : vector<2048x64xi32> to vector<2048xi32>
    %broadcast_in_dim3A_34 = vector.shape_cast %reduce_min3A_33 : vector<2048xi32> to vector<2048x1xi32>
    %add3A = arith.addf %broadcast_in_dim3A_14, %broadcast_in_dim3A_26 : vector<2048x1xf32>
    %div3A_35 = arith.divf %broadcast_in_dim3A_14, %add3A : vector<2048x1xf32>
    %div3A_36 = arith.divf %broadcast_in_dim3A_26, %add3A : vector<2048x1xf32>
    %eq3A_37 = vector.broadcast %broadcast_in_dim3A_18 : vector<2048x1xi32> to vector<2048x64xi32>
    %eq3A_38 = arith.cmpi eq, %iota3A, %eq3A_37 : vector<2048x64xi32>
    %convert_element_type3A_39 = arith.extui %eq3A_38 : vector<2048x64xi1> to vector<2048x64xi32>
    %convert_element_type3A_40 = arith.sitofp %convert_element_type3A_39 : vector<2048x64xi32> to vector<2048x64xf32>
    %eq3A_41 = vector.broadcast %broadcast_in_dim3A_34 : vector<2048x1xi32> to vector<2048x64xi32>
    %eq3A_42 = arith.cmpi eq, %iota3A, %eq3A_41 : vector<2048x64xi32>
    %convert_element_type3A_43 = arith.extui %eq3A_42 : vector<2048x64xi1> to vector<2048x64xi32>
    %convert_element_type3A_44 = arith.sitofp %convert_element_type3A_43 : vector<2048x64xi32> to vector<2048x64xf32>
    %add3A_45 = arith.addf %convert_element_type3A_40, %convert_element_type3A_44 : vector<2048x64xf32>
    %broadcast_in_dim3A_46 = arith.constant 0.000000e+00 : f32
    %broadcast_in_dim3A_47 = vector.broadcast %broadcast_in_dim3A_46 : f32 to vector<1x64xf32>
    %slice3A = vector.extract_strided_slice %add3A_45 {offsets = [0, 0], sizes = [2047, 64], strides = [1, 1]} : vector<2048x64xf32> to vector<2047x64xf32>
    %concatenate3A = tpu.concatenate %broadcast_in_dim3A_47, %slice3A in 0 : vector<1x64xf32>, vector<2047x64xf32> -> vector<2048x64xf32>
    %add3A_48 = arith.addf %add3A_45, %concatenate3A : vector<2048x64xf32>
    %broadcast_in_dim3A_49 = arith.constant 0.000000e+00 : f32
    %broadcast_in_dim3A_50 = vector.broadcast %broadcast_in_dim3A_49 : f32 to vector<2x64xf32>
    %slice3A_51 = vector.extract_strided_slice %add3A_48 {offsets = [0, 0], sizes = [2046, 64], strides = [1, 1]} : vector<2048x64xf32> to vector<2046x64xf32>
    %concatenate3A_52 = tpu.concatenate %broadcast_in_dim3A_50, %slice3A_51 in 0 : vector<2x64xf32>, vector<2046x64xf32> -> vector<2048x64xf32>
    %add3A_53 = arith.addf %add3A_48, %concatenate3A_52 : vector<2048x64xf32>
    %broadcast_in_dim3A_54 = arith.constant 0.000000e+00 : f32
    %broadcast_in_dim3A_55 = vector.broadcast %broadcast_in_dim3A_54 : f32 to vector<4x64xf32>
    %slice3A_56 = vector.extract_strided_slice %add3A_53 {offsets = [0, 0], sizes = [2044, 64], strides = [1, 1]} : vector<2048x64xf32> to vector<2044x64xf32>
    %concatenate3A_57 = tpu.concatenate %broadcast_in_dim3A_55, %slice3A_56 in 0 : vector<4x64xf32>, vector<2044x64xf32> -> vector<2048x64xf32>
    %add3A_58 = arith.addf %add3A_53, %concatenate3A_57 : vector<2048x64xf32>
    %broadcast_in_dim3A_59 = arith.constant 0.000000e+00 : f32
    %broadcast_in_dim3A_60 = vector.broadcast %broadcast_in_dim3A_59 : f32 to vector<8x64xf32>
    %slice3A_61 = vector.extract_strided_slice %add3A_58 {offsets = [0, 0], sizes = [2040, 64], strides = [1, 1]} : vector<2048x64xf32> to vector<2040x64xf32>
    %concatenate3A_62 = tpu.concatenate %broadcast_in_dim3A_60, %slice3A_61 in 0 : vector<8x64xf32>, vector<2040x64xf32> -> vector<2048x64xf32>
    %add3A_63 = arith.addf %add3A_58, %concatenate3A_62 : vector<2048x64xf32>
    %broadcast_in_dim3A_64 = arith.constant 0.000000e+00 : f32
    %broadcast_in_dim3A_65 = vector.broadcast %broadcast_in_dim3A_64 : f32 to vector<16x64xf32>
    %slice3A_66 = vector.extract_strided_slice %add3A_63 {offsets = [0, 0], sizes = [2032, 64], strides = [1, 1]} : vector<2048x64xf32> to vector<2032x64xf32>
    %concatenate3A_67 = tpu.concatenate %broadcast_in_dim3A_65, %slice3A_66 in 0 : vector<16x64xf32>, vector<2032x64xf32> -> vector<2048x64xf32>
    %add3A_68 = arith.addf %add3A_63, %concatenate3A_67 : vector<2048x64xf32>
    %broadcast_in_dim3A_69 = arith.constant 0.000000e+00 : f32
    %broadcast_in_dim3A_70 = vector.broadcast %broadcast_in_dim3A_69 : f32 to vector<32x64xf32>
    %slice3A_71 = vector.extract_strided_slice %add3A_68 {offsets = [0, 0], sizes = [2016, 64], strides = [1, 1]} : vector<2048x64xf32> to vector<2016x64xf32>
    %concatenate3A_72 = tpu.concatenate %broadcast_in_dim3A_70, %slice3A_71 in 0 : vector<32x64xf32>, vector<2016x64xf32> -> vector<2048x64xf32>
    %add3A_73 = arith.addf %add3A_68, %concatenate3A_72 : vector<2048x64xf32>
    %broadcast_in_dim3A_74 = arith.constant 0.000000e+00 : f32
    %broadcast_in_dim3A_75 = vector.broadcast %broadcast_in_dim3A_74 : f32 to vector<64x64xf32>
    %slice3A_76 = vector.extract_strided_slice %add3A_73 {offsets = [0, 0], sizes = [1984, 64], strides = [1, 1]} : vector<2048x64xf32> to vector<1984x64xf32>
    %concatenate3A_77 = tpu.concatenate %broadcast_in_dim3A_75, %slice3A_76 in 0 : vector<64x64xf32>, vector<1984x64xf32> -> vector<2048x64xf32>
    %add3A_78 = arith.addf %add3A_73, %concatenate3A_77 : vector<2048x64xf32>
    %broadcast_in_dim3A_79 = arith.constant 0.000000e+00 : f32
    %broadcast_in_dim3A_80 = vector.broadcast %broadcast_in_dim3A_79 : f32 to vector<128x64xf32>
    %slice3A_81 = vector.extract_strided_slice %add3A_78 {offsets = [0, 0], sizes = [1920, 64], strides = [1, 1]} : vector<2048x64xf32> to vector<1920x64xf32>
    %concatenate3A_82 = tpu.concatenate %broadcast_in_dim3A_80, %slice3A_81 in 0 : vector<128x64xf32>, vector<1920x64xf32> -> vector<2048x64xf32>
    %add3A_83 = arith.addf %add3A_78, %concatenate3A_82 : vector<2048x64xf32>
    %broadcast_in_dim3A_84 = arith.constant 0.000000e+00 : f32
    %broadcast_in_dim3A_85 = vector.broadcast %broadcast_in_dim3A_84 : f32 to vector<256x64xf32>
    %slice3A_86 = vector.extract_strided_slice %add3A_83 {offsets = [0, 0], sizes = [1792, 64], strides = [1, 1]} : vector<2048x64xf32> to vector<1792x64xf32>
    %concatenate3A_87 = tpu.concatenate %broadcast_in_dim3A_85, %slice3A_86 in 0 : vector<256x64xf32>, vector<1792x64xf32> -> vector<2048x64xf32>
    %add3A_88 = arith.addf %add3A_83, %concatenate3A_87 : vector<2048x64xf32>
    %broadcast_in_dim3A_89 = arith.constant 0.000000e+00 : f32
    %broadcast_in_dim3A_90 = vector.broadcast %broadcast_in_dim3A_89 : f32 to vector<512x64xf32>
    %slice3A_91 = vector.extract_strided_slice %add3A_88 {offsets = [0, 0], sizes = [1536, 64], strides = [1, 1]} : vector<2048x64xf32> to vector<1536x64xf32>
    %concatenate3A_92 = tpu.concatenate %broadcast_in_dim3A_90, %slice3A_91 in 0 : vector<512x64xf32>, vector<1536x64xf32> -> vector<2048x64xf32>
    %add3A_93 = arith.addf %add3A_88, %concatenate3A_92 : vector<2048x64xf32>
    %broadcast_in_dim3A_94 = arith.constant 0.000000e+00 : f32
    %broadcast_in_dim3A_95 = vector.broadcast %broadcast_in_dim3A_94 : f32 to vector<1024x64xf32>
    %slice3A_96 = vector.extract_strided_slice %add3A_93 {offsets = [0, 0], sizes = [1024, 64], strides = [1, 1]} : vector<2048x64xf32> to vector<1024x64xf32>
    %concatenate3A_97 = tpu.concatenate %broadcast_in_dim3A_95, %slice3A_96 in 0 : vector<1024x64xf32>, vector<1024x64xf32> -> vector<2048x64xf32>
    %add3A_98 = arith.addf %add3A_93, %concatenate3A_97 : vector<2048x64xf32>
    %sub3A_99 = arith.subf %add3A_98, %add3A_45 : vector<2048x64xf32>
    %mul3A = arith.mulf %sub3A_99, %convert_element_type3A_40 : vector<2048x64xf32>
    %reduce_sum3A_100 = arith.constant dense<0.000000e+00> : vector<2048xf32>
    %reduce_sum3A_101 = vector.multi_reduction <add>, %mul3A, %reduce_sum3A_100 [1] : vector<2048x64xf32> to vector<2048xf32>
    %broadcast_in_dim3A_102 = vector.shape_cast %reduce_sum3A_101 : vector<2048xf32> to vector<2048x1xf32>
    %convert_element_type3A_103 = arith.fptosi %broadcast_in_dim3A_102 : vector<2048x1xf32> to vector<2048x1xi32>
    %mul3A_104 = arith.mulf %sub3A_99, %convert_element_type3A_44 : vector<2048x64xf32>
    %reduce_sum3A_105 = arith.constant dense<0.000000e+00> : vector<2048xf32>
    %reduce_sum3A_106 = vector.multi_reduction <add>, %mul3A_104, %reduce_sum3A_105 [1] : vector<2048x64xf32> to vector<2048xf32>
    %broadcast_in_dim3A_107 = vector.shape_cast %reduce_sum3A_106 : vector<2048xf32> to vector<2048x1xf32>
    %convert_element_type3A_108 = arith.fptosi %broadcast_in_dim3A_107 : vector<2048x1xf32> to vector<2048x1xi32>
    %iota3A_109 = tpu.iota {dimensions = array<i32: 0>} : vector<2048x1xi32>
    %jit3A_110 = arith.constant 128 : i32
    %eq3A_111 = arith.constant 0 : i32
    %eq3A_112 = arith.cmpi eq, %jit3A_110, %eq3A_111 : i32
    %jit3A_113 = arith.constant 1 : i32
    %select_n3A_114 = arith.select %eq3A_112, %jit3A_113, %jit3A_110 : i32
    %rem3A = vector.broadcast %select_n3A_114 : i32 to vector<2048x1xi32>
    %rem3A_115 = arith.remsi %iota3A_109, %rem3A : vector<2048x1xi32>
    %ne3A = arith.constant 0 : i32
    %ne3A_116 = vector.broadcast %ne3A : i32 to vector<2048x1xi32>
    %ne3A_117 = arith.cmpi ne, %rem3A_115, %ne3A_116 : vector<2048x1xi32>
    %lt3A = arith.constant 0 : i32
    %lt3A_118 = vector.broadcast %lt3A : i32 to vector<2048x1xi32>
    %lt3A_119 = arith.cmpi slt, %rem3A_115, %lt3A_118 : vector<2048x1xi32>
    %lt3A_120 = arith.constant 0 : i32
    %lt3A_121 = arith.cmpi slt, %select_n3A_114, %lt3A_120 : i32
    %ne3A_122 = vector.broadcast %lt3A_121 : i1 to vector<2048x1xi1>
    %ne3A_123 = vector.broadcast %ne3A_122 : vector<2048x1xi1> to vector<2048x1xi1>
    %ne3A_124 = arith.xori %lt3A_119, %ne3A_123 : vector<2048x1xi1>
    %and3A = arith.andi %ne3A_124, %ne3A_117 : vector<2048x1xi1>
    %add3A_125 = vector.broadcast %select_n3A_114 : i32 to vector<2048x1xi32>
    %add3A_126 = arith.addi %rem3A_115, %add3A_125 : vector<2048x1xi32>
    %select_n3A_127 = arith.select %and3A, %add3A_126, %rem3A_115 : vector<2048x1xi1>, vector<2048x1xi32>
    %add3A_128 = arith.constant 8192 : i32
    %add3A_129 = vector.broadcast %add3A_128 : i32 to vector<2048x1xi32>
    %add3A_130 = arith.addi %add3A_129, %select_n3A_127 : vector<2048x1xi32>
    %lt3A_131 = arith.constant 128 : i32
    %lt3A_132 = vector.broadcast %lt3A_131 : i32 to vector<2048x1xi32>
    %lt3A_133 = arith.cmpi slt, %convert_element_type3A_103, %lt3A_132 : vector<2048x1xi32>
    %lt3A_134 = arith.constant 128 : i32
    %lt3A_135 = vector.broadcast %lt3A_134 : i32 to vector<2048x1xi32>
    %lt3A_136 = arith.cmpi slt, %convert_element_type3A_108, %lt3A_135 : vector<2048x1xi32>
    %mul3A_137 = arith.constant 128 : i32
    %mul3A_138 = vector.broadcast %mul3A_137 : i32 to vector<2048x1xi32>
    %mul3A_139 = arith.muli %broadcast_in_dim3A_18, %mul3A_138 : vector<2048x1xi32>
    %add3A_140 = arith.addi %mul3A_139, %convert_element_type3A_103 : vector<2048x1xi32>
    %select_n3A_141 = arith.select %lt3A_133, %add3A_140, %add3A_130 : vector<2048x1xi1>, vector<2048x1xi32>
    %swap3A = arith.constant 0 : index
    %swap3A_142 = arith.constant 0 : index
    %swap3A_143 = vector.load %arg2[%swap3A, %swap3A_142] : memref<2048x1xi32, #tpu.memory_space<vmem>>, vector<2048x1xi32>
    tpu.vector_store %arg2[%swap3A, %swap3A_142], %select_n3A_141 {strides = array<i32>} : memref<2048x1xi32, #tpu.memory_space<vmem>>, vector<2048x1xi32>,
    %mul3A_144 = arith.constant 128 : i32
    %mul3A_145 = vector.broadcast %mul3A_144 : i32 to vector<2048x1xi32>
    %mul3A_146 = arith.muli %broadcast_in_dim3A_34, %mul3A_145 : vector<2048x1xi32>
    %add3A_147 = arith.addi %mul3A_146, %convert_element_type3A_108 : vector<2048x1xi32>
    %select_n3A_148 = arith.select %lt3A_136, %add3A_147, %add3A_130 : vector<2048x1xi1>, vector<2048x1xi32>
    %swap3A_149 = arith.constant 0 : index
    %swap3A_150 = arith.constant 0 : index
    %swap3A_151 = vector.load %arg3[%swap3A_149, %swap3A_150] : memref<2048x1xi32, #tpu.memory_space<vmem>>, vector<2048x1xi32>
    tpu.vector_store %arg3[%swap3A_149, %swap3A_150], %select_n3A_148 {strides = array<i32>} : memref<2048x1xi32, #tpu.memory_space<vmem>>, vector<2048x1xi32>,
    %mul3A_152 = arith.constant 128 : i32
    %mul3A_153 = vector.broadcast %mul3A_152 : i32 to vector<2048x1xi32>
    %mul3A_154 = arith.muli %broadcast_in_dim3A_18, %mul3A_153 : vector<2048x1xi32>
    %min3A = arith.constant 127 : i32
    %min3A_155 = vector.broadcast %min3A : i32 to vector<2048x1xi32>
    %min3A_156 = arith.minsi %convert_element_type3A_103, %min3A_155 : vector<2048x1xi32>
    %add3A_157 = arith.addi %mul3A_154, %min3A_156 : vector<2048x1xi32>
    %swap3A_158 = arith.constant 0 : index
    %swap3A_159 = arith.constant 0 : index
    %swap3A_160 = vector.load %arg4[%swap3A_158, %swap3A_159] : memref<2048x1xi32, #tpu.memory_space<vmem>>, vector<2048x1xi32>
    tpu.vector_store %arg4[%swap3A_158, %swap3A_159], %add3A_157 {strides = array<i32>} : memref<2048x1xi32, #tpu.memory_space<vmem>>, vector<2048x1xi32>,
    %mul3A_161 = arith.constant 128 : i32
    %mul3A_162 = vector.broadcast %mul3A_161 : i32 to vector<2048x1xi32>
    %mul3A_163 = arith.muli %broadcast_in_dim3A_34, %mul3A_162 : vector<2048x1xi32>
    %min3A_164 = arith.constant 127 : i32
    %min3A_165 = vector.broadcast %min3A_164 : i32 to vector<2048x1xi32>
    %min3A_166 = arith.minsi %convert_element_type3A_108, %min3A_165 : vector<2048x1xi32>
    %add3A_167 = arith.addi %mul3A_163, %min3A_166 : vector<2048x1xi32>
    %swap3A_168 = arith.constant 0 : index
    %swap3A_169 = arith.constant 0 : index
    %swap3A_170 = vector.load %arg5[%swap3A_168, %swap3A_169] : memref<2048x1xi32, #tpu.memory_space<vmem>>, vector<2048x1xi32>
    tpu.vector_store %arg5[%swap3A_168, %swap3A_169], %add3A_167 {strides = array<i32>} : memref<2048x1xi32, #tpu.memory_space<vmem>>, vector<2048x1xi32>,
    %jit3A_171 = arith.constant 0.000000e+00 : f32
    %broadcast_in_dim3A_172 = vector.broadcast %jit3A_171 : f32 to vector<2048x1xf32>
    %select_n3A_173 = arith.select %lt3A_133, %div3A_35, %broadcast_in_dim3A_172 : vector<2048x1xi1>, vector<2048x1xf32>
    %swap3A_174 = arith.constant 0 : index
    %swap3A_175 = arith.constant 0 : index
    %swap3A_176 = vector.load %arg6[%swap3A_174, %swap3A_175] : memref<2048x1xf32, #tpu.memory_space<vmem>>, vector<2048x1xf32>
    tpu.vector_store %arg6[%swap3A_174, %swap3A_175], %select_n3A_173 {strides = array<i32>} : memref<2048x1xf32, #tpu.memory_space<vmem>>, vector<2048x1xf32>,
    %jit3A_177 = arith.constant 0.000000e+00 : f32
    %broadcast_in_dim3A_178 = vector.broadcast %jit3A_177 : f32 to vector<2048x1xf32>
    %select_n3A_179 = arith.select %lt3A_136, %div3A_36, %broadcast_in_dim3A_178 : vector<2048x1xi1>, vector<2048x1xf32>
    %swap3A_180 = arith.constant 0 : index
    %swap3A_181 = arith.constant 0 : index
    %swap3A_182 = vector.load %arg7[%swap3A_180, %swap3A_181] : memref<2048x1xf32, #tpu.memory_space<vmem>>, vector<2048x1xf32>
    tpu.vector_store %arg7[%swap3A_180, %swap3A_181], %select_n3A_179 {strides = array<i32>} : memref<2048x1xf32, #tpu.memory_space<vmem>>, vector<2048x1xf32>,
    return
  }
}

module attributes {stable_mosaic.version = 14 : i64} {
  func.func @_shared_body(%arg0: i32, %arg1: memref<256x768xf32, #tpu.memory_space<vmem>>, %arg2: memref<2048x768xi8, #tpu.memory_space<vmem>>, %arg3: memref<2048x768xi8, #tpu.memory_space<vmem>>, %arg4: memref<768x2048xi8, #tpu.memory_space<vmem>>, %arg5: memref<1xf32, #tpu.memory_space<smem>>, %arg6: memref<1xf32, #tpu.memory_space<smem>>, %arg7: memref<1xf32, #tpu.memory_space<smem>>, %arg8: memref<256x768xf32, #tpu.memory_space<vmem>>, %arg9: memref<256x768xf32, #tpu.memory_space<vmem>>, %arg10: memref<256x1xf32, #tpu.memory_space<vmem>>, %arg11: memref<256x1xf32, #tpu.memory_space<vmem>>, %arg12: memref<256x768xf32, #tpu.memory_space<vmem>>) attributes {dimension_semantics = [#tpu.dimension_semantics<arbitrary>], iteration_bounds = array<i64: 8>, scalar_prefetch = 0 : i64, scratch_operands = 0 : i64, tpu.core_type = #tpu.core_type<tc>, window_params = [{transform_indices = @transform_0, window_bounds = array<i64: 256, 768>}, {pipeline_mode = #tpu.pipeline_mode<synchronous>, transform_indices = @transform_1, window_bounds = array<i64: 2048, 768>}, {pipeline_mode = #tpu.pipeline_mode<synchronous>, transform_indices = @transform_2, window_bounds = array<i64: 2048, 768>}, {pipeline_mode = #tpu.pipeline_mode<synchronous>, transform_indices = @transform_3, window_bounds = array<i64: 768, 2048>}, {transform_indices = @transform_4, window_bounds = array<i64: 1>}, {transform_indices = @transform_5, window_bounds = array<i64: 1>}, {transform_indices = @transform_6, window_bounds = array<i64: 1>}, {transform_indices = @transform_7, window_bounds = array<i64: 256, 768>}, {transform_indices = @transform_8, window_bounds = array<i64: 256, 768>}, {transform_indices = @transform_9, window_bounds = array<i64: 256, 1>}, {transform_indices = @transform_10, window_bounds = array<i64: 256, 1>}, {transform_indices = @transform_11, window_bounds = array<i64: 256, 768>}]} {
    %get3A = arith.constant 0 : index
    %get3A_0 = arith.constant 0 : index
    %get3A_1 = vector.load %arg1[%get3A, %get3A_0] : memref<256x768xf32, #tpu.memory_space<vmem>>, vector<256x768xf32>
    %convert_element_type3A = arith.truncf %get3A_1 : vector<256x768xf32> to vector<256x768xbf16>
    %get3A_2 = arith.constant 0 : index
    %get3A_3 = arith.constant 0 : index
    %get3A_4 = vector.load %arg2[%get3A_2, %get3A_3] : memref<2048x768xi8, #tpu.memory_space<vmem>>, vector<2048x768xi8>
    %convert_element_type3A_5 = arith.sitofp %get3A_4 : vector<2048x768xi8> to vector<2048x768xbf16>
    %get3A_6 = arith.constant 0 : index
    %get3A_7 = arith.constant 0 : index
    %get3A_8 = vector.load %arg3[%get3A_6, %get3A_7] : memref<2048x768xi8, #tpu.memory_space<vmem>>, vector<2048x768xi8>
    %convert_element_type3A_9 = arith.sitofp %get3A_8 : vector<2048x768xi8> to vector<2048x768xbf16>
    %dot_general3A = arith.constant dense<0.000000e+00> : vector<256x2048xf32>
    %dot_general3A_10 = tpu.matmul %convert_element_type3A, %convert_element_type3A_5, %dot_general3A {dimension_numbers = #tpu.dot_dimension_numbers<[1], [1], [0], [0], [0, 0, 1, 0], [], []>, transpose_lhs_hint = false} : vector<256x768xbf16>, vector<2048x768xbf16>, vector<256x2048xf32> -> vector<256x2048xf32>
    %dot_general3A_11 = arith.constant dense<0.000000e+00> : vector<256x2048xf32>
    %dot_general3A_12 = tpu.matmul %convert_element_type3A, %convert_element_type3A_9, %dot_general3A_11 {dimension_numbers = #tpu.dot_dimension_numbers<[1], [1], [0], [0], [0, 0, 1, 0], [], []>, transpose_lhs_hint = false} : vector<256x768xbf16>, vector<2048x768xbf16>, vector<256x2048xf32> -> vector<256x2048xf32>
    %get3A_13 = arith.constant 0 : index
    %get3A_14 = memref.load %arg5[%get3A_13] : memref<1xf32, #tpu.memory_space<smem>>
    %mul3A = vector.broadcast %get3A_14 : f32 to vector<256x2048xf32>
    %mul3A_15 = arith.mulf %dot_general3A_10, %mul3A : vector<256x2048xf32>
    %get3A_16 = arith.constant 0 : index
    %get3A_17 = memref.load %arg6[%get3A_16] : memref<1xf32, #tpu.memory_space<smem>>
    %mul3A_18 = vector.broadcast %get3A_17 : f32 to vector<256x2048xf32>
    %mul3A_19 = arith.mulf %dot_general3A_12, %mul3A_18 : vector<256x2048xf32>
    %neg3A = arith.constant 0.000000e+00 : f32
    %neg3A_20 = vector.broadcast %neg3A : f32 to vector<256x2048xf32>
    %neg3A_21 = arith.subf %neg3A_20, %mul3A_15 : vector<256x2048xf32>
    %exp3A = math.exp %neg3A_21 : vector<256x2048xf32>
    %add3A = arith.constant 1.000000e+00 : f32
    %add3A_22 = vector.broadcast %add3A : f32 to vector<256x2048xf32>
    %add3A_23 = arith.addf %add3A_22, %exp3A : vector<256x2048xf32>
    %div3A = arith.divf %mul3A_15, %add3A_23 : vector<256x2048xf32>
    %mul3A_24 = arith.mulf %div3A, %mul3A_19 : vector<256x2048xf32>
    %convert_element_type3A_25 = arith.truncf %mul3A_24 : vector<256x2048xf32> to vector<256x2048xbf16>
    %get3A_26 = arith.constant 0 : index
    %get3A_27 = arith.constant 0 : index
    %get3A_28 = vector.load %arg4[%get3A_26, %get3A_27] : memref<768x2048xi8, #tpu.memory_space<vmem>>, vector<768x2048xi8>
    %convert_element_type3A_29 = arith.sitofp %get3A_28 : vector<768x2048xi8> to vector<768x2048xbf16>
    %dot_general3A_30 = arith.constant dense<0.000000e+00> : vector<256x768xf32>
    %dot_general3A_31 = tpu.matmul %convert_element_type3A_25, %convert_element_type3A_29, %dot_general3A_30 {dimension_numbers = #tpu.dot_dimension_numbers<[1], [1], [0], [0], [0, 0, 1, 0], [], []>, transpose_lhs_hint = false} : vector<256x2048xbf16>, vector<768x2048xbf16>, vector<256x768xf32> -> vector<256x768xf32>
    %get3A_32 = arith.constant 0 : index
    %get3A_33 = memref.load %arg7[%get3A_32] : memref<1xf32, #tpu.memory_space<smem>>
    %mul3A_34 = vector.broadcast %get3A_33 : f32 to vector<256x768xf32>
    %mul3A_35 = arith.mulf %dot_general3A_31, %mul3A_34 : vector<256x768xf32>
    %get3A_36 = arith.constant 0 : index
    %get3A_37 = arith.constant 0 : index
    %get3A_38 = vector.load %arg10[%get3A_36, %get3A_37] : memref<256x1xf32, #tpu.memory_space<vmem>>, vector<256x1xf32>
    %get3A_39 = arith.constant 0 : index
    %get3A_40 = arith.constant 0 : index
    %get3A_41 = vector.load %arg8[%get3A_39, %get3A_40] : memref<256x768xf32, #tpu.memory_space<vmem>>, vector<256x768xf32>
    %mul3A_42 = vector.broadcast %get3A_38 : vector<256x1xf32> to vector<256x768xf32>
    %mul3A_43 = arith.mulf %mul3A_42, %get3A_41 : vector<256x768xf32>
    %add3A_44 = arith.addf %mul3A_35, %mul3A_43 : vector<256x768xf32>
    %get3A_45 = arith.constant 0 : index
    %get3A_46 = arith.constant 0 : index
    %get3A_47 = vector.load %arg11[%get3A_45, %get3A_46] : memref<256x1xf32, #tpu.memory_space<vmem>>, vector<256x1xf32>
    %get3A_48 = arith.constant 0 : index
    %get3A_49 = arith.constant 0 : index
    %get3A_50 = vector.load %arg9[%get3A_48, %get3A_49] : memref<256x768xf32, #tpu.memory_space<vmem>>, vector<256x768xf32>
    %mul3A_51 = vector.broadcast %get3A_47 : vector<256x1xf32> to vector<256x768xf32>
    %mul3A_52 = arith.mulf %mul3A_51, %get3A_50 : vector<256x768xf32>
    %add3A_53 = arith.addf %add3A_44, %mul3A_52 : vector<256x768xf32>
    %swap3A = arith.constant 0 : index
    %swap3A_54 = arith.constant 0 : index
    %swap3A_55 = vector.load %arg12[%swap3A, %swap3A_54] : memref<256x768xf32, #tpu.memory_space<vmem>>, vector<256x768xf32>
    tpu.vector_store %arg12[%swap3A, %swap3A_54], %add3A_53 {strides = array<i32>} : memref<256x768xf32, #tpu.memory_space<vmem>>, vector<256x768xf32>,
    return
  }
  func.func @transform_0(%arg0: i32) -> (i32, i32) {
    %c0_i32 = arith.constant 0 : i32
    %c0_i32_0 = arith.constant 0 : i32
    return %arg0, %c0_i32 : i32, i32
  }
  func.func @transform_1(%arg0: i32) -> (i32, i32) {
    %c0_i32 = arith.constant 0 : i32
    %c0_i32_0 = arith.constant 0 : i32
    %c0_i32_1 = arith.constant 0 : i32
    return %c0_i32, %c0_i32_0 : i32, i32
  }
  func.func @transform_2(%arg0: i32) -> (i32, i32) {
    %c0_i32 = arith.constant 0 : i32
    %c0_i32_0 = arith.constant 0 : i32
    %c0_i32_1 = arith.constant 0 : i32
    return %c0_i32, %c0_i32_0 : i32, i32
  }
  func.func @transform_3(%arg0: i32) -> (i32, i32) {
    %c0_i32 = arith.constant 0 : i32
    %c0_i32_0 = arith.constant 0 : i32
    %c0_i32_1 = arith.constant 0 : i32
    return %c0_i32, %c0_i32_0 : i32, i32
  }
  func.func @transform_4(%arg0: i32) -> i32 {
    %c0_i32 = arith.constant 0 : i32
    %c0_i32_0 = arith.constant 0 : i32
    return %c0_i32 : i32
  }
  func.func @transform_5(%arg0: i32) -> i32 {
    %c0_i32 = arith.constant 0 : i32
    %c0_i32_0 = arith.constant 0 : i32
    return %c0_i32 : i32
  }
  func.func @transform_6(%arg0: i32) -> i32 {
    %c0_i32 = arith.constant 0 : i32
    %c0_i32_0 = arith.constant 0 : i32
    return %c0_i32 : i32
  }
  func.func @transform_7(%arg0: i32) -> (i32, i32) {
    %c0_i32 = arith.constant 0 : i32
    %c0_i32_0 = arith.constant 0 : i32
    return %arg0, %c0_i32 : i32, i32
  }
  func.func @transform_8(%arg0: i32) -> (i32, i32) {
    %c0_i32 = arith.constant 0 : i32
    %c0_i32_0 = arith.constant 0 : i32
    return %arg0, %c0_i32 : i32, i32
  }
  func.func @transform_9(%arg0: i32) -> (i32, i32) {
    %c0_i32 = arith.constant 0 : i32
    %c0_i32_0 = arith.constant 0 : i32
    return %arg0, %c0_i32 : i32, i32
  }
  func.func @transform_10(%arg0: i32) -> (i32, i32) {
    %c0_i32 = arith.constant 0 : i32
    %c0_i32_0 = arith.constant 0 : i32
    return %arg0, %c0_i32 : i32, i32
  }
  func.func @transform_11(%arg0: i32) -> (i32, i32) {
    %c0_i32 = arith.constant 0 : i32
    %c0_i32_0 = arith.constant 0 : i32
    return %arg0, %c0_i32 : i32, i32
  }
}

</mosaic_0001>

<sc_bundles>
// kernel: kernel.10.cloned.1.call-start
scs
__scs_entry_jumppad:
0x0: {  	(pc) =	sbr.rel $0x88, $3  }
0x1: {  	(tag) =	ssettag $0x0;
	lr =	simm.s32 $0x1  }
0x2: {  	[smem:$0x3F93] =	sst lr;
	_ =	strace $0xD0000000  }
0x3: {  	_ = 	snop  }
0x4: {  	_ = 	snop  }
0x5: {  	_ = 	snop  }
0x6: {  	_ = 	snop  }
0x7: {  	_ = 	snop  }
__scs_overlays_trampoline_lowered:
0x8: {  	[smem:$0x3FA2] =	sst s0  }
0x9: {  	[smem:$0x3FA3] =	sst s1  }
0xa: {  	[smem:$0x3FA4] =	sst s2  }
0xb: {  	[smem:$0x3FA5] =	sst s3  }
0xc: {  	[smem:$0x3FA6] =	sst s4  }
0xd: {  	[smem:$0x3FA7] =	sst s5  }
0xe: {  	[smem:$0x3FA8] =	sst s6  }
0xf: {  	[smem:$0x3FA9] =	sst s7  }
0x10: {  	[smem:$0x3FAA] =	sst s8  }
0x11: {  	[smem:$0x3FAB] =	sst s9;
	s0 =	simm.s32 @!p0 $0x0  }
0x12: {  	s1 =	sld [smem:$0x3F91];
	s0 =	simm.s32 @p0 $0x1  }
0x13: {  	[smem:$0x3FAC] =	sst s0;
	s0 =	simm.s32 @!p1 $0x0  }
0x14: {  	s2 =	sld [smem:$0x3F90];
	s0 =	simm.s32 @p1 $0x1  }
0x15: {  	[smem:$0x3FAD] =	sst s0;
	s0 =	simm.s32 @!p2 $0x0  }
0x16: {  	s3 =	sld [smem:$0x3FDB];
	s0 =	simm.s32 @p2 $0x1  }
0x17: {  	s4 =	simm.s32 $0x1BF5;
	[smem:$0x3FAF] =	sst s0  }
0x18: {  	s0 =	sld [smem:$0x3F92];
	_ =	swait.ge [sflag:s4], $0x0  }
0x19: {  	s7 =	sld [smem:$0x3F93]  }
0x1a: {  	s8 =	sadd.s32 $0xFFFFE003, lr  }
0x1b: {  	s9 =	sadd.s32 $0xFFFFFEF7, lr;
	s5 =	simm.s32 $0xFFFFFFFF;
	p2 =	slt.u32 s8, $0xFFFFF086  }
0x1c: {  	p1 =	slt.u32 s9, $0xF7A;
	s5 =	simm.s32 @!p2 $0x0  }
0x1d: {  	s5 =	simm.s32 @p1 $0x1;
	p0 =	seq.s32 s7, s2  }
0x1e: {  	s7 =	smul.u32 @!p0 $0xF7A, s2;
	p2 =	seq.s32 @!p0 s5, $0x0  }
0x1f: {  	s9 =	smul.u32 $0xF7A, s1;
	s8 =	simm.s32 @!p0 $0x1BF5;
	p2 =	por !p2, p0  }
0x20: {  	[sflag:s8] =	ssyncset.s32 @!p0 $0xFFFFF086;
	s6 =	sadd.s32 @!p0 s3, s7;
	s7 =	simm.s32 @!p0 $0x108  }
0x21: {  	s3 =	sadd.s32 s3, s9;
	s6 =	sadd.s32 @!p0 $0x88, s6;
	s7 =	simm.s32 @p2 $0x1082  }
0x22: {  	[simem:s7], [sflag:s8] =	dma.local @!p0 [hbm:s6], $0xF7A  }
0x23: {  	s9 =	sor.u32 $0xD0000000, s2;
	s6 =	simm.s32 $0x108;
	_ =	swait.ge @!p0 [sflag:s8], $0x0  }
0x24: {  	s3 =	sadd.s32 $0x88, s3;
	s6 =	simm.s32 @!p1 $0x1082;
	[sflag:s4] =	ssyncset.s32 $0xFFFFF086  }
0x25: {  	[simem:s6], [sflag:s4] =	dma.local [hbm:s3], $0xF7A  }
0x26: {  	[smem:$0x3F93] =	sst s1;
	(tag) =	ssettag s2;
	_ =	strace s9  }
0x27: {  	s1 =	sld [smem:$0x3FA3]  }
0x28: {  	s2 =	sld [smem:$0x3FA4]  }
0x29: {  	s4 =	sld [smem:$0x3FA6]  }
0x2a: {  	p0 =	seq.s32 s5, $0x0;
	s5 =	sld [smem:$0x3FA7]  }
0x2b: {  	s6 =	sld [smem:$0x3FA8]  }
0x2c: {  	s7 =	sld [smem:$0x3FA9]  }
0x2d: {  	s3 =	simm.s32 $0x108;
	s8 =	sld [smem:$0x3FAA]  }
0x2e: {  	s3 =	simm.s32 @!p0 $0x1082;
	s9 =	sld [smem:$0x3FAB]  }
0x2f: {  	lr =	sadd.s32 s0, s3;
	s0 =	sld [smem:$0x3FA2]  }
0x30: {  	s3 =	sld [smem:$0x3FA5]  }
0x31: {  	[smem:$0x3FAE] =	sst s10  }
0x32: {  	s10 =	sld [smem:$0x3FAC];
	_ =	sdelay $0x3  }
0x33: {  	p0 =	seq.s32 s10, $0x1;
	s10 =	sld [smem:$0x3FAE];
	_ =	sdelay $0x3  }
0x34: {  	[smem:$0x3FAE] =	sst s10  }
0x35: {  	s10 =	sld [smem:$0x3FAD];
	_ =	sdelay $0x3  }
0x36: {  	p1 =	seq.s32 s10, $0x1;
	s10 =	sld [smem:$0x3FAE];
	_ =	sdelay $0x3  }
0x37: {  	[smem:$0x3FAE] =	sst s10  }
0x38: {  	s10 =	sld [smem:$0x3FAF]  }
0x39: {  	_ = 	snop;
	(pc) =	sbr.ind lr, $3  }
0x3a: {  	_ = 	snop  }
0x3b: {  	_ = 	snop  }
0x3c: {  	p2 =	seq.s32 s10, $0x1;
	s10 =	sld [smem:$0x3FAE]  }
0x3d: {  	_ =	shalt  }
0x3e: {  	_ =	shalt  }
0x3f: {  	_ =	shalt  }
0x40: {  	_ =	shalt  }
0x41: {  	_ =	shalt  }
0x42: {  	_ =	shalt  }
0x43: {  	_ =	shalt  }
0x44: {  	_ =	shalt  }
0x45: {  	_ =	shalt  }
0x46: {  	_ =	shalt  }
0x47: {  	_ =	shalt  }
0x48: {  	_ =	shalt  }
0x49: {  	_ =	shalt  }
0x4a: {  	_ =	shalt  }
0x4b: {  	_ =	shalt  }
0x4c: {  	_ =	shalt  }
0x4d: {  	_ =	shalt  }
0x4e: {  	_ =	shalt  }
0x4f: {  	_ =	shalt  }
0x50: {  	_ =	shalt  }
0x51: {  	_ =	shalt  }
0x52: {  	_ =	shalt  }
0x53: {  	_ =	shalt  }
0x54: {  	_ =	shalt  }
0x55: {  	_ =	shalt  }
0x56: {  	_ =	shalt  }
0x57: {  	_ =	shalt  }
0x58: {  	_ =	shalt  }
0x59: {  	_ =	shalt  }
0x5a: {  	_ =	shalt  }
0x5b: {  	_ =	shalt  }
0x5c: {  	_ =	shalt  }
0x5d: {  	_ =	shalt  }
0x5e: {  	_ =	shalt  }
0x5f: {  	_ =	shalt  }
0x60: {  	_ =	shalt  }
0x61: {  	_ =	shalt  }
0x62: {  	_ =	shalt  }
0x63: {  	_ =	shalt  }
0x64: {  	_ =	shalt  }
0x65: {  	_ =	shalt  }
0x66: {  	_ =	shalt  }
0x67: {  	_ =	shalt  }
0x68: {  	_ =	shalt  }
0x69: {  	_ =	shalt  }
0x6a: {  	_ =	shalt  }
0x6b: {  	_ =	shalt  }
0x6c: {  	_ =	shalt  }
0x6d: {  	_ =	shalt  }
0x6e: {  	_ =	shalt  }
0x6f: {  	_ =	shalt  }
0x70: {  	_ =	shalt  }
0x71: {  	_ =	shalt  }
0x72: {  	_ =	shalt  }
0x73: {  	_ =	shalt  }
0x74: {  	_ =	shalt  }
0x75: {  	_ =	shalt  }
0x76: {  	_ =	shalt  }
0x77: {  	_ =	shalt  }
0x78: {  	_ =	shalt  }
0x79: {  	_ =	shalt  }
0x7a: {  	_ =	shalt  }
0x7b: {  	_ =	shalt  }
0x7c: {  	_ =	shalt  }
0x7d: {  	_ =	shalt  }
0x7e: {  	_ =	shalt  }
0x7f: {  	_ =	shalt  }
0x80: {  	_ =	shalt  }
0x81: {  	_ =	shalt  }
0x82: {  	_ =	shalt  }
0x83: {  	_ =	shalt  }
0x84: {  	_ =	shalt  }
0x85: {  	_ =	shalt  }
0x86: {  	_ =	shalt  }
0x87: {  	_ =	shalt  }
.Lfunc_end0:
.L_simem_size_0:
called_computation.1_lowered:
.L_overlay_start_0:
0x88: {  	s2 =	sld [smem:$0x3FD9]  }
0x89: {  	s3 =	sld [smem:$0x3FFE];
	_ =	sdelay $0x1  }
0x8a: {  	s1 =	srdreg.scid  }
0x8b: {  	s0 =	sand.u32 $0x1, s1  }
0x8c: {  	s17 =	sshll.u32 s0, $0xA;
	s2 =	sadd.s32 s3, s2  }
0x8d: {  	s2 =	sadd.s32 s2, s17  }
0x8e: {  	[smem:$0x3FBA] =	sst s2  }
0x8f: {  	_ = 	snop  }
0x90: {  	s2 =	sld [smem:$0x3FD0];
	(tm) =	ssettm $0x1  }
0x91: {  	s18 =	sld [smem:$0x3FFB];
	_ =	sdelay $0x3  }
0x92: {  	_ =	strace s18  }
0x93: {  	s3 =	sld [smem:$0x3FFC];
	_ =	sdelay $0x3  }
0x94: {  	_ =	strace s3  }
0x95: {  	s3 =	sld [smem:$0x3FFD];
	_ =	sdelay $0x3  }
0x96: {  	_ =	strace s3  }
0x97: {  	_ =	strace $0x8FFFFFFF  }
0x98: {  	s19 =	sld [smem:$0x3FDB];
	_ =	sdelay $0x1  }
0x99: {  	s4 =	simm.s32 $_scs_section_size  }
0x9a: {  	s5 =	simm.s32 $_size__tile_overlayer_lowered;
	s6 =	simm.s32 $_tile_overlayer_lowered  }
0x9b: {  	s22 =	simm.s32 $0x1BFF;
	s21 =	sshll.u32 s6, $0x1;
	s3 =	sadd.s32 s4, s19  }
0x9c: {  	s7 =	simm.s32 $0x0;
	s20 =	sshll.u32 s5, $0x1;
	s5 =	sadd.s32 s21, s3  }
0x9d: {  	[timem:s7], [sflag:s22] =	dma.local [hbm:s5], s20  }
0x9e: {  	_ =	swait.ge [sflag:s22], s20  }
0x9f: {  	s4 =	ssub.s32 $0x0, s20;
	[sflag:s22] =	ssyncset.done $0x0  }
0xa0: {  	[sflag:s22] =	ssyncadd.s32 s4;
	_ =	sdelay $0x1  }
0xa1: {  	s23 =	simm.s32 $0x1B8B  }
0xa2: {  	_ =	swait.ge [sflag:s23], $0x1  }
0xa3: {  	[sflag:s23] =	ssyncset.done $0x0  }
0xa4: {  	s25 =	simm.s32 $0x1B8E;
	s24 =	sld [smem:$0x3FFE];
	[sflag:s23] =	ssyncadd.s32 $0xFFFFFFFF  }
0xa5: {  	s26 =	simm.s32 $execute0_lowered;
	[smem:$0x3FD2] =	sst s25  }
0xa6: {  	s5 =	sshll.u32 s26, $0x1;
	_ =	strace $0x80000049;
	[dreg:$0x1] =	wrdreg $0xFFFFFFFF  }
0xa7: {  	s28 =	simm.s32 $_size_execute0_lowered;
	s3 =	sadd.s32 s3, s5;
	[dreg:$0x0] =	wrdreg $0x0  }
0xa8: {  	s5 =	sshll.u32 s28, $0x1;
	[dreg:$0x2] =	wrdreg s3  }
0xa9: {  	[dreg:$0x3] =	wrdreg s5  }
0xaa: {  	[dreg:$0x4] =	wrdreg $0xC0  }
0xab: {  	_ =	task [dreg:s7], $0x5FFFF  }
0xac: {  	[dreg:$0x1] =	wrdreg $0xFFFFFFFF  }
0xad: {  	[dreg:$0x0] =	wrdreg $0x60  }
0xae: {  	[dreg:$0x2] =	wrdreg s24  }
0xaf: {  	[dreg:$0x3] =	wrdreg s2  }
0xb0: {  	[dreg:$0x4] =	wrdreg $0x9  }
0xb1: {  	_ =	task.clear_ibuf [dreg:s7], $0x5FFFF;
	_ =	strace $0x90000049  }
0xb2: {  	s29 =	simm.s32 $0x9;
	_ =	strace $0x8000004B  }
0xb3: {  	_ =	swait.ge [sflag:s29], $0x1  }
0xb4: {  	[sflag:s29] =	ssyncadd.s32 $0xFFFFFFFF  }
0xb5: {  	_ =	strace $0x9000004B  }
0xb6: {  	_ =	sfence  }
0xb7: {  	s30 =	sld [smem:$0x0];
	_ =	sdelay $0x2  }
0xb8: {  	s31 =	sshll.u32 s1, $0xD;
	s1 =	sshrl.u32 s1, $0x2  }
0xb9: {  	s3 =	sand.u32 $0x4000, s31;
	s1 =	sadd.s32 s1, s30  }
0xba: {  	s0 =	sor.u32 s3, s0;
	s1 =	sshll.u32 s1, $0x11  }
0xbb: {  	s0 =	sor.u32 s1, s0  }
0xbc: {  	s0 =	sadd.s32 $0x8F2B, s0  }
0xbd: {  	[sflag:s0] =	ssyncadd.remote.s32 $0x1  }
0xbe: {  	_ =	sfence.sel $0xFFFF  }
0xbf: {  	[dreg:$0x0] =	wrdreg $0xFFFFFFFF;
	(pc) =	sbr.abs _section_cstart, $3  }
0xc0: {  	[dreg:$0x1] =	wrdreg $0xFFFFFFFF  }
0xc1: {  	_ =	task.clear_ibuf [dreg:s7], $0x2FFFF;
	_ =	strace $0x9FFFFFFF  }
0xc2: {  	(tm) =	ssettm $0x7FFFFFFF  }
0xc3: {  	_ =	shalt  }
tec
execute0_lowered:
.L_overlay_start_1:
0x0: {  	(tag) =	ssettag $0x1  }
0x1: {  	s2 =	srdreg.scid;
	s1 =	rddreg [dreg:$0x0]  }
0x2: {  	s3 =	rddreg [dreg:$0x1];
	s4 =	sand.u32 $0x1, s2;
	s2 =	simm.s32 $0x0  }
0x3: {  	s22 =	simm.s32 $0x80;
	[smem:$0x7FF] =	sst s2  }
0x4: {  	s23 =	simm.s32 $0x900;
	_ =	strace $0x8000004A;
	[dreg:$0x7] =	wrdreg s22  }
0x5: {  	s24 =	simm.s32 $0x1100;
	[dreg:$0x8] =	wrdreg s23  }
0x6: {  	s25 =	simm.s32 $0x1900;
	[dreg:$0x9] =	wrdreg s24  }
0x7: {  	s0 =	stileid.u32;
	s26 =	simm.s32 $0x2100;
	[dreg:$0xa] =	wrdreg s25  }
0x8: {  	s5 =	sshll.u32 s0, $0x4;
	s0 =	simm.s32 $0x2900;
	[dreg:$0xb] =	wrdreg s26  }
0x9: {  	s8 =	simm.s32 $0x4900;
	[dreg:$0xc] =	wrdreg s0  }
0xa: {  	s9 =	simm.s32 $0x5100;
	[dreg:$0x10] =	wrdreg s8  }
0xb: {  	s10 =	simm.s32 $0x5900;
	[dreg:$0x11] =	wrdreg s9  }
0xc: {  	s11 =	simm.s32 $0x6100;
	s12 =	simm.s32 $0x6900;
	[dreg:$0x12] =	wrdreg s10  }
0xd: {  	s13 =	simm.s32 $0x7100;
	s14 =	simm.s32 $0x7900;
	[dreg:$0x13] =	wrdreg s11  }
0xe: {  	s15 =	simm.s32 $0x8100;
	s16 =	simm.s32 $0x8900;
	[dreg:$0x14] =	wrdreg s12  }
0xf: {  	s17 =	simm.s32 $0x9100;
	s18 =	simm.s32 $0x9900;
	[dreg:$0x15] =	wrdreg s13  }
0x10: {  	s28 =	simm.s32 $0x16900;
	s29 =	simm.s32 $0x17100;
	[dreg:$0x16] =	wrdreg s14  }
0x11: {  	s30 =	simm.s32 $0x17900;
	s31 =	simm.s32 $0x1;
	[dreg:$0x17] =	wrdreg s15  }
0x12: {  	s6 =	sshll.u32 s4, $0x3;
	s4 =	ssub.s32 $0x2, s4;
	[dreg:$0x18] =	wrdreg s16  }
0x13: {  	s5 =	sor.u32 s6, s5;
	[dreg:$0x19] =	wrdreg s17;
	s19 =	sshrl.u32 s4, $0x1  }
0x14: {  	[dreg:$0x1a] =	wrdreg s18;
	s22 =	simm.s32 $0xB100;
	s23 =	simm.s32 $0xB900  }
0x15: {  	s24 =	simm.s32 $0xC900;
	s25 =	simm.s32 $0xD100;
	s8 =	simm.s32 $0x100  }
0x16: {  	s26 =	simm.s32 $0xD900;
	s9 =	simm.s32 $0xC100;
	s11 =	simm.s32 $0xE900  }
0x17: {  	s12 =	simm.s32 $0xF100;
	s13 =	simm.s32 $0xF900;
	[dreg:$0x1d] =	wrdreg s22  }
0x18: {  	s14 =	simm.s32 $0x10100;
	s15 =	simm.s32 $0x10900;
	[dreg:$0x1e] =	wrdreg s23  }
0x19: {  	s16 =	simm.s32 $0x11100;
	s17 =	simm.s32 $0x11900;
	[dreg:$0x1f] =	wrdreg s24  }
0x1a: {  	s18 =	simm.s32 $0x12100;
	s6 =	sadd.s32 s5, s1;
	[smem:$0x7FC] =	sst s25  }
0x1b: {  	s5 =	smul.u32 $0x300, s5;
	[smem:$0x7FD] =	sst s26;
	s7 =	sadd.s32 $0xD4C00, s6  }
0x1c: {  	s22 =	simm.s32 $0x14100;
	s6 =	sadd.s32 $0xD4E00, s6;
	[dreg:$0x3] =	wrdreg s7  }
0x1d: {  	s23 =	simm.s32 $0x14900;
	[dreg:$0x4] =	wrdreg s6;
	s3 =	sadd.s32 s3, s5  }
0x1e: {  	s20 =	sadd.s32 s5, s1;
	s5 =	simm.s32 $0x3100;
	[dreg:$0x5] =	wrdreg s3  }
0x1f: {  	s24 =	simm.s32 $0x15100;
	s6 =	simm.s32 $0x3900;
	[dreg:$0xd] =	wrdreg s5  }
0x20: {  	s25 =	simm.s32 $0x15900;
	s7 =	simm.s32 $0x4100;
	[dreg:$0xe] =	wrdreg s6  }
0x21: {  	s26 =	simm.s32 $0x16100;
	s21 =	sadd.s32 $0xD5000, s20;
	[dreg:$0xf] =	wrdreg s7  }
0x22: {  	s3 =	sadd.s32 $0x11A00, s1;
	s20 =	simm.s32 $0xA100;
	s6 =	ssub.s32 s4, s19  }
0x23: {  	s4 =	sadd.s32 $0x11B00, s1;
	s5 =	sadd.s32 $0x11C00, s1;
	s7 =	simm.s32 $0x3  }
0x24: {  	v2 =	vlaneseq.u32;
	s19 =	simm.s32 $0x12900;
	s1 =	simm.s32 $0x2;
	[dreg:$0x6] =	wrdreg s21  }
0x25: {  	vm0 =	vmmov $0xffff;
	v1 =	vshrl.u32 v2, $0x3;
	[dreg:$0x1b] =	wrdreg s20;
	s21 =	simm.s32 $0xA900;
	s6 =	smax.u32 s6, $0x1  }
0x26: {  	v0 =	vand.u32 $0x7, v2;
	v2 =	vor.u32 $0x8, v2;
	v1 =	vmul.u32 $0x8, v1;
	s20 =	simm.s32 $0x13100;
	[dreg:$0x1c] =	wrdreg s21;
	s21 =	simm.s32 $0x13900  }
.LBB2_1:
0x27: {  	s0 =	rddreg [dreg:$0x3]  }
0x28: {  	[tilespmem:s2], [sflag:$0x3] =	stream.linear.gather [hbm4b:s0+s2], $0x40, $0x38;
	[tilespmem:$0x18100] =	vst v63  }
0x29: {  	_ =	swait.ge [sflag:s7], $0x40  }
0x2a: {  	s0 =	rddreg [dreg:$0x4];
	[sflag:s7] =	ssyncset.done $0x0  }
0x2b: {  	s10 =	rddreg [dreg:$0x7];
	[sflag:s7] =	ssyncadd.s32 $0xFFFFFFC0  }
0x2c: {  	[tilespmem:s10], [sflag:$0x3] =	stream.linear.gather [hbm4b:s0+s2], $0x40, $0x38;
	[tilespmem:$0x18100] =	vst v63  }
0x2d: {  	_ =	swait.ge [sflag:s7], $0x40  }
0x2e: {  	[sflag:s7] =	ssyncset.done $0x0  }
0x2f: {  	[sflag:s7] =	ssyncadd.s32 $0xFFFFFFC0  }
0x30: {  	v3 =	vld [tilespmem:$0x0];
	_ =	sdelay $0x4  }
0x31: {  	v4 =	vshrl.u32 v3, $0x3  }
0x32: {  	v4 =	vmul.u32 $0x30, v4  }
0x33: {  	v3 =	vand.u32 $0x7, v3  }
0x34: {  	v3 =	vor.u32 v3, v4  }
0x35: {  	v4 =	vperm.xlane v3, v0;
	_ =	sdelay $0x1  }
0x36: {  	v4 =	vadd.s32 v1, v4;
	_ =	sdelay $0x3  }
0x37: {  	v3 =	vperm.xlane v3, v2  }
0x38: {  	[tilespmem:s8], [sflag:$0x1] =	stream.indirect_vreg.gather [hbm4b:s3+s2], $0x80, v4, vm0, $0xb8;
	[tilespmem:$0x18100] =	vst v63  }
0x39: {  	s0 =	rddreg [dreg:$0x8];
	v3 =	vadd.s32 v1, v3  }
0x3a: {  	[tilespmem:s0], [sflag:$0x1] =	stream.indirect_vreg.gather [hbm4b:s4+s2], $0x80, v4, vm0, $0xb8;
	[tilespmem:$0x18100] =	vst v63  }
0x3b: {  	s10 =	rddreg [dreg:$0x9]  }
0x3c: {  	[tilespmem:s10], [sflag:$0x1] =	stream.indirect_vreg.gather [hbm4b:s5+s2], $0x80, v4, vm0, $0xb8;
	[tilespmem:$0x18100] =	vst v63  }
0x3d: {  	s0 =	rddreg [dreg:$0xa]  }
0x3e: {  	[tilespmem:s0], [sflag:$0x1] =	stream.indirect_vreg.gather [hbm4b:s3+s2], $0x80, v3, vm0, $0xb8;
	[tilespmem:$0x18100] =	vst v63  }
0x3f: {  	s10 =	rddreg [dreg:$0xb]  }
0x40: {  	[tilespmem:s10], [sflag:$0x1] =	stream.indirect_vreg.gather [hbm4b:s4+s2], $0x80, v3, vm0, $0xb8;
	[tilespmem:$0x18100] =	vst v63  }
0x41: {  	s0 =	rddreg [dreg:$0xc]  }
0x42: {  	[tilespmem:s0], [sflag:$0x1] =	stream.indirect_vreg.gather [hbm4b:s5+s2], $0x80, v3, vm0, $0xb8;
	[tilespmem:$0x18100] =	vst v63  }
0x43: {  	v3 =	vld [tilespmem:$0x10];
	_ =	sdelay $0x4  }
0x44: {  	v57 =	vshrl.u32 v3, $0x3  }
0x45: {  	v4 =	vmul.u32 $0x30, v57  }
0x46: {  	v3 =	vand.u32 $0x7, v3  }
0x47: {  	v3 =	vor.u32 v3, v4  }
0x48: {  	v4 =	vperm.xlane v3, v0;
	_ =	sdelay $0x1  }
0x49: {  	v4 =	vadd.s32 v1, v4;
	_ =	sdelay $0x3  }
0x4a: {  	s0 =	rddreg [dreg:$0xd];
	v3 =	vperm.xlane v3, v2  }
0x4b: {  	[tilespmem:s0], [sflag:$0x1] =	stream.indirect_vreg.gather [hbm4b:s3+s2], $0x80, v4, vm0, $0xb8;
	[tilespmem:$0x18100] =	vst v63  }
0x4c: {  	s10 =	rddreg [dreg:$0xe];
	v3 =	vadd.s32 v1, v3  }
0x4d: {  	[tilespmem:s10], [sflag:$0x1] =	stream.indirect_vreg.gather [hbm4b:s4+s2], $0x80, v4, vm0, $0xb8;
	[tilespmem:$0x18100] =	vst v63  }
0x4e: {  	s0 =	rddreg [dreg:$0xf]  }
0x4f: {  	[tilespmem:s0], [sflag:$0x1] =	stream.indirect_vreg.gather [hbm4b:s5+s2], $0x80, v4, vm0, $0xb8;
	[tilespmem:$0x18100] =	vst v63  }
0x50: {  	s10 =	rddreg [dreg:$0x10]  }
0x51: {  	[tilespmem:s10], [sflag:$0x1] =	stream.indirect_vreg.gather [hbm4b:s3+s2], $0x80, v3, vm0, $0xb8;
	[tilespmem:$0x18100] =	vst v63  }
0x52: {  	s0 =	rddreg [dreg:$0x11]  }
0x53: {  	[tilespmem:s0], [sflag:$0x1] =	stream.indirect_vreg.gather [hbm4b:s4+s2], $0x80, v3, vm0, $0xb8;
	[tilespmem:$0x18100] =	vst v63  }
0x54: {  	s10 =	rddreg [dreg:$0x12]  }
0x55: {  	[tilespmem:s10], [sflag:$0x1] =	stream.indirect_vreg.gather [hbm4b:s5+s2], $0x80, v3, vm0, $0xb8;
	[tilespmem:$0x18100] =	vst v63  }
0x56: {  	v3 =	vld [tilespmem:$0x20];
	_ =	sdelay $0x4  }
0x57: {  	v58 =	vshrl.u32 v3, $0x3  }
0x58: {  	v4 =	vmul.u32 $0x30, v58  }
0x59: {  	v3 =	vand.u32 $0x7, v3  }
0x5a: {  	v3 =	vor.u32 v3, v4  }
0x5b: {  	v4 =	vperm.xlane v3, v0;
	_ =	sdelay $0x1  }
0x5c: {  	v4 =	vadd.s32 v1, v4;
	_ =	sdelay $0x3  }
0x5d: {  	s0 =	rddreg [dreg:$0x13];
	v3 =	vperm.xlane v3, v2  }
0x5e: {  	[tilespmem:s0], [sflag:$0x1] =	stream.indirect_vreg.gather [hbm4b:s3+s2], $0x80, v4, vm0, $0xb8;
	[tilespmem:$0x18100] =	vst v63  }
0x5f: {  	s10 =	rddreg [dreg:$0x14];
	v3 =	vadd.s32 v1, v3  }
0x60: {  	[tilespmem:s10], [sflag:$0x1] =	stream.indirect_vreg.gather [hbm4b:s4+s2], $0x80, v4, vm0, $0xb8;
	[tilespmem:$0x18100] =	vst v63  }
0x61: {  	s0 =	rddreg [dreg:$0x15]  }
0x62: {  	[tilespmem:s0], [sflag:$0x1] =	stream.indirect_vreg.gather [hbm4b:s5+s2], $0x80, v4, vm0, $0xb8;
	[tilespmem:$0x18100] =	vst v63  }
0x63: {  	s10 =	rddreg [dreg:$0x16]  }
0x64: {  	[tilespmem:s10], [sflag:$0x1] =	stream.indirect_vreg.gather [hbm4b:s3+s2], $0x80, v3, vm0, $0xb8;
	[tilespmem:$0x18100] =	vst v63  }
0x65: {  	s0 =	rddreg [dreg:$0x17]  }
0x66: {  	[tilespmem:s0], [sflag:$0x1] =	stream.indirect_vreg.gather [hbm4b:s4+s2], $0x80, v3, vm0, $0xb8;
	[tilespmem:$0x18100] =	vst v63  }
0x67: {  	s10 =	rddreg [dreg:$0x18]  }
0x68: {  	[tilespmem:s10], [sflag:$0x1] =	stream.indirect_vreg.gather [hbm4b:s5+s2], $0x80, v3, vm0, $0xb8;
	[tilespmem:$0x18100] =	vst v63  }
0x69: {  	v3 =	vld [tilespmem:$0x30];
	_ =	sdelay $0x4  }
0x6a: {  	v59 =	vshrl.u32 v3, $0x3  }
0x6b: {  	v4 =	vmul.u32 $0x30, v59  }
0x6c: {  	v3 =	vand.u32 $0x7, v3  }
0x6d: {  	v3 =	vor.u32 v3, v4  }
0x6e: {  	v4 =	vperm.xlane v3, v0;
	_ =	sdelay $0x1  }
0x6f: {  	v4 =	vadd.s32 v1, v4;
	_ =	sdelay $0x3  }
0x70: {  	s0 =	rddreg [dreg:$0x19];
	v3 =	vperm.xlane v3, v2  }
0x71: {  	[tilespmem:s0], [sflag:$0x1] =	stream.indirect_vreg.gather [hbm4b:s3+s2], $0x80, v4, vm0, $0xb8;
	[tilespmem:$0x18100] =	vst v63  }
0x72: {  	s10 =	rddreg [dreg:$0x1a];
	v3 =	vadd.s32 v1, v3  }
0x73: {  	[tilespmem:s10], [sflag:$0x1] =	stream.indirect_vreg.gather [hbm4b:s4+s2], $0x80, v4, vm0, $0xb8;
	[tilespmem:$0x18100] =	vst v63  }
0x74: {  	s0 =	rddreg [dreg:$0x1b]  }
0x75: {  	[tilespmem:s0], [sflag:$0x1] =	stream.indirect_vreg.gather [hbm4b:s5+s2], $0x80, v4, vm0, $0xb8;
	[tilespmem:$0x18100] =	vst v63  }
0x76: {  	s10 =	rddreg [dreg:$0x1c]  }
0x77: {  	[tilespmem:s10], [sflag:$0x1] =	stream.indirect_vreg.gather [hbm4b:s3+s2], $0x80, v3, vm0, $0xb8;
	[tilespmem:$0x18100] =	vst v63  }
0x78: {  	s0 =	rddreg [dreg:$0x1d]  }
0x79: {  	[tilespmem:s0], [sflag:$0x1] =	stream.indirect_vreg.gather [hbm4b:s4+s2], $0x80, v3, vm0, $0xb8;
	[tilespmem:$0x18100] =	vst v63  }
0x7a: {  	s10 =	rddreg [dreg:$0x1e]  }
0x7b: {  	[tilespmem:s10], [sflag:$0x1] =	stream.indirect_vreg.gather [hbm4b:s5+s2], $0x80, v3, vm0, $0xb8;
	[tilespmem:$0x18100] =	vst v63  }
0x7c: {  	v3 =	vld [tilespmem:$0x80];
	_ =	sdelay $0x4  }
0x7d: {  	v60 =	vshrl.u32 v3, $0x3  }
0x7e: {  	v4 =	vmul.u32 $0x30, v60  }
0x7f: {  	v3 =	vand.u32 $0x7, v3  }
0x80: {  	v3 =	vor.u32 v3, v4  }
0x81: {  	v4 =	vperm.xlane v3, v0;
	_ =	sdelay $0x1  }
0x82: {  	v4 =	vadd.s32 v1, v4;
	_ =	sdelay $0x3  }
0x83: {  	s0 =	rddreg [dreg:$0x1f];
	v3 =	vperm.xlane v3, v2  }
0x84: {  	[tilespmem:s9], [sflag:$0x2] =	stream.indirect_vreg.gather [hbm4b:s3+s2], $0x80, v4, vm0, $0xb8;
	[tilespmem:$0x18100] =	vst v63  }
0x85: {  	s10 =	sld [smem:$0x7FC];
	v3 =	vadd.s32 v1, v3  }
0x86: {  	[tilespmem:s0], [sflag:$0x2] =	stream.indirect_vreg.gather [hbm4b:s4+s2], $0x80, v4, vm0, $0xb8;
	[tilespmem:$0x18100] =	vst v63  }
0x87: {  	s0 =	sld [smem:$0x7FD]  }
0x88: {  	[tilespmem:s10], [sflag:$0x2] =	stream.indirect_vreg.gather [hbm4b:s5+s2], $0x80, v4, vm0, $0xb8;
	[tilespmem:$0x18100] =	vst v63  }
0x89: {  	_ = 	snop  }
0x8a: {  	[tilespmem:s0], [sflag:$0x2] =	stream.indirect_vreg.gather [hbm4b:s3+s2], $0x80, v3, vm0, $0xb8;
	[tilespmem:$0x18100] =	vst v63  }
0x8b: {  	s10 =	simm.s32 $0xE100  }
0x8c: {  	[tilespmem:s10], [sflag:$0x2] =	stream.indirect_vreg.gather [hbm4b:s4+s2], $0x80, v3, vm0, $0xb8;
	[tilespmem:$0x18100] =	vst v63  }
0x8d: {  	_ = 	snop  }
0x8e: {  	[tilespmem:s11], [sflag:$0x2] =	stream.indirect_vreg.gather [hbm4b:s5+s2], $0x80, v3, vm0, $0xb8;
	[tilespmem:$0x18100] =	vst v63  }
0x8f: {  	v3 =	vld [tilespmem:$0x90];
	_ =	sdelay $0x4  }
0x90: {  	v61 =	vshrl.u32 v3, $0x3  }
0x91: {  	v4 =	vmul.u32 $0x30, v61  }
0x92: {  	v3 =	vand.u32 $0x7, v3  }
0x93: {  	v3 =	vor.u32 v3, v4  }
0x94: {  	v4 =	vperm.xlane v3, v0;
	_ =	sdelay $0x1  }
0x95: {  	v4 =	vadd.s32 v1, v4;
	_ =	sdelay $0x3  }
0x96: {  	v3 =	vperm.xlane v3, v2  }
0x97: {  	[tilespmem:s12], [sflag:$0x2] =	stream.indirect_vreg.gather [hbm4b:s3+s2], $0x80, v4, vm0, $0xb8;
	[tilespmem:$0x18100] =	vst v63  }
0x98: {  	v3 =	vadd.s32 v1, v3  }
0x99: {  	[tilespmem:s13], [sflag:$0x2] =	stream.indirect_vreg.gather [hbm4b:s4+s2], $0x80, v4, vm0, $0xb8;
	[tilespmem:$0x18100] =	vst v63  }
0x9a: {  	_ = 	snop  }
0x9b: {  	[tilespmem:s14], [sflag:$0x2] =	stream.indirect_vreg.gather [hbm4b:s5+s2], $0x80, v4, vm0, $0xb8;
	[tilespmem:$0x18100] =	vst v63  }
0x9c: {  	_ = 	snop  }
0x9d: {  	[tilespmem:s15], [sflag:$0x2] =	stream.indirect_vreg.gather [hbm4b:s3+s2], $0x80, v3, vm0, $0xb8;
	[tilespmem:$0x18100] =	vst v63  }
0x9e: {  	_ = 	snop  }
0x9f: {  	[tilespmem:s16], [sflag:$0x2] =	stream.indirect_vreg.gather [hbm4b:s4+s2], $0x80, v3, vm0, $0xb8;
	[tilespmem:$0x18100] =	vst v63  }
0xa0: {  	_ = 	snop  }
0xa1: {  	[tilespmem:s17], [sflag:$0x2] =	stream.indirect_vreg.gather [hbm4b:s5+s2], $0x80, v3, vm0, $0xb8;
	[tilespmem:$0x18100] =	vst v63  }
0xa2: {  	v3 =	vld [tilespmem:$0xA0];
	_ =	sdelay $0x4  }
0xa3: {  	v62 =	vshrl.u32 v3, $0x3  }
0xa4: {  	v4 =	vmul.u32 $0x30, v62  }
0xa5: {  	v3 =	vand.u32 $0x7, v3  }
0xa6: {  	v3 =	vor.u32 v3, v4  }
0xa7: {  	v4 =	vperm.xlane v3, v0;
	_ =	sdelay $0x1  }
0xa8: {  	v4 =	vadd.s32 v1, v4;
	_ =	sdelay $0x3  }
0xa9: {  	v3 =	vperm.xlane v3, v2  }
0xaa: {  	[tilespmem:s18], [sflag:$0x2] =	stream.indirect_vreg.gather [hbm4b:s3+s2], $0x80, v4, vm0, $0xb8;
	[tilespmem:$0x18100] =	vst v63  }
0xab: {  	v3 =	vadd.s32 v1, v3  }
0xac: {  	[tilespmem:s19], [sflag:$0x2] =	stream.indirect_vreg.gather [hbm4b:s4+s2], $0x80, v4, vm0, $0xb8;
	[tilespmem:$0x18100] =	vst v63  }
0xad: {  	_ = 	snop  }
0xae: {  	[tilespmem:s20], [sflag:$0x2] =	stream.indirect_vreg.gather [hbm4b:s5+s2], $0x80, v4, vm0, $0xb8;
	[tilespmem:$0x18100] =	vst v63  }
0xaf: {  	_ = 	snop  }
0xb0: {  	[tilespmem:s21], [sflag:$0x2] =	stream.indirect_vreg.gather [hbm4b:s3+s2], $0x80, v3, vm0, $0xb8;
	[tilespmem:$0x18100] =	vst v63  }
0xb1: {  	_ = 	snop  }
0xb2: {  	[tilespmem:s22], [sflag:$0x2] =	stream.indirect_vreg.gather [hbm4b:s4+s2], $0x80, v3, vm0, $0xb8;
	[tilespmem:$0x18100] =	vst v63  }
0xb3: {  	_ = 	snop  }
0xb4: {  	[tilespmem:s23], [sflag:$0x2] =	stream.indirect_vreg.gather [hbm4b:s5+s2], $0x80, v3, vm0, $0xb8;
	[tilespmem:$0x18100] =	vst v63  }
0xb5: {  	v3 =	vld [tilespmem:$0xB0];
	_ =	sdelay $0x4  }
0xb6: {  	v63 =	vshrl.u32 v3, $0x3  }
0xb7: {  	v4 =	vmul.u32 $0x30, v63  }
0xb8: {  	v3 =	vand.u32 $0x7, v3  }
0xb9: {  	v3 =	vor.u32 v3, v4  }
0xba: {  	v4 =	vperm.xlane v3, v0;
	_ =	sdelay $0x1  }
0xbb: {  	v4 =	vadd.s32 v1, v4;
	_ =	sdelay $0x3  }
0xbc: {  	v3 =	vperm.xlane v3, v2  }
0xbd: {  	[tilespmem:s24], [sflag:$0x2] =	stream.indirect_vreg.gather [hbm4b:s3+s2], $0x80, v4, vm0, $0xb8;
	[tilespmem:$0x18100] =	vst v63  }
0xbe: {  	v3 =	vadd.s32 v1, v3  }
0xbf: {  	[tilespmem:s25], [sflag:$0x2] =	stream.indirect_vreg.gather [hbm4b:s4+s2], $0x80, v4, vm0, $0xb8;
	[tilespmem:$0x18100] =	vst v63  }
0xc0: {  	_ = 	snop  }
0xc1: {  	[tilespmem:s26], [sflag:$0x2] =	stream.indirect_vreg.gather [hbm4b:s5+s2], $0x80, v4, vm0, $0xb8;
	[tilespmem:$0x18100] =	vst v63  }
0xc2: {  	_ = 	snop  }
0xc3: {  	[tilespmem:s28], [sflag:$0x2] =	stream.indirect_vreg.gather [hbm4b:s3+s2], $0x80, v3, vm0, $0xb8;
	[tilespmem:$0x18100] =	vst v63  }
0xc4: {  	_ = 	snop  }
0xc5: {  	[tilespmem:s29], [sflag:$0x2] =	stream.indirect_vreg.gather [hbm4b:s4+s2], $0x80, v3, vm0, $0xb8;
	[tilespmem:$0x18100] =	vst v63  }
0xc6: {  	_ = 	snop  }
0xc7: {  	[tilespmem:s30], [sflag:$0x2] =	stream.indirect_vreg.gather [hbm4b:s5+s2], $0x80, v3, vm0, $0xb8;
	[tilespmem:$0x18100] =	vst v63  }
0xc8: {  	_ =	swait.ge [sflag:s31], $0xC000  }
0xc9: {  	[sflag:s31] =	ssyncset.done $0x0  }
0xca: {  	s10 =	rddreg [dreg:$0x5];
	[sflag:s31] =	ssyncadd.s32 $0xFFFF4000  }
0xcb: {  	[hbm4b:s10+s2] =	stream.linear.scatter [tilespmem:s8], [sflag:$0x3], $0xC000, $0x38;
	[tilespmem:$0x18100] =	vst v63  }
0xcc: {  	_ =	swait.ge [sflag:s7], $0xC000  }
0xcd: {  	[sflag:s7] =	ssyncset.done $0x0  }
0xce: {  	[sflag:s7] =	ssyncadd.s32 $0xFFFF4000  }
0xcf: {  	_ =	swait.ge [sflag:s1], $0xC000  }
0xd0: {  	p0 =	sne.s32 s6, $0x1;
	[sflag:s1] =	ssyncset.done $0x0  }
.Ltmp0:
0xd1: {  	s10 =	rddreg [dreg:$0x6];
	[sflag:s1] =	ssyncadd.s32 $0xFFFF4000;
	(pc) =	sbr.rel @p0 .LBB2_1-.Ltmp0, $4  }
0xd2: {  	[hbm4b:s10+s2] =	stream.linear.scatter [tilespmem:s9], [sflag:$0x3], $0xC000, $0x38;
	[tilespmem:$0x18100] =	vst v63  }
0xd3: {  	_ =	swait.ge [sflag:s7], $0xC000  }
0xd4: {  	[sflag:s7] =	ssyncset.done $0x0  }
0xd5: {  	s6 =	sadd.s32 $0xFFFFFFFF, s6;
	[sflag:s7] =	ssyncadd.s32 $0xFFFF4000  }
0xd6: {  	_ =	sfence.sel $0x180000  }
0xd7: {  	[bflag:$0x0] =	sbarrier.arrive $0xFFFF  }
0xd8: {  	_ =	strace $0x9000004A  }
0xd9: {  	s0 =	stileid.u32;
	[bflag:$0x2] =	sbarrier.arrive $0xFFFF  }
0xda: {  	p0 =	sne.s32 s0, $0x0;
	s0 =	rddreg [dreg:$0x2]  }
0xdb: {  	s0 =	sadd.s32 @!p0 $0x100000, s0  }
0xdc: {  	[sflag:s0] =	ssyncadd.tile.s32 @!p0 $0x1;
	_ =	shalt  }
.Lfunc_end2:
_tile_overlayer_lowered:
.L_overlay_start_2:
0xdd: {  	(tag) =	ssettag $0x2  }
0xde: {  	s0 =	rddreg [dreg:$0x0];
	s2 =	stileid.u32  }
0xdf: {  	s1 =	rddreg [dreg:$0x1];
	p0 =	sne.s32 s2, $0x0  }
0xe0: {  	s3 =	rddreg [dreg:$0x2];
	[bflag:$0x3] =	sbarrier.arrive $0xFFFF;
	s2 =	simm.s32 @!p0 $0x1C03  }
0xe1: {  	[timem:s3], [sflag:s2] =	dma.local @!p0 [hbm:s0], s1  }
0xe2: {  	s0 =	simm.s32 @!p0 $0x3  }
0xe3: {  	_ =	swait.ge @!p0 [sflag:s0], s1  }
0xe4: {  	s1 =	ssub.s32 @!p0 $0x0, s1;
	[sflag:s0] =	ssyncset.done @!p0 $0x0  }
0xe5: {  	[sflag:s0] =	ssyncadd.s32 @!p0 s1  }
0xe6: {  	[bflag:$0x3] =	sbarrier.arrive $0xFFFF  }
0xe7: {  	_ =	shalt  }

// kernel: kernel.7.cloned.1.call-start
scs
__scs_entry_jumppad:
0x0: {  	(pc) =	sbr.rel $0x88, $3  }
0x1: {  	(tag) =	ssettag $0x0;
	lr =	simm.s32 $0x1  }
0x2: {  	[smem:$0x3F93] =	sst lr;
	_ =	strace $0xD0000000  }
0x3: {  	_ = 	snop  }
0x4: {  	_ = 	snop  }
0x5: {  	_ = 	snop  }
0x6: {  	_ = 	snop  }
0x7: {  	_ = 	snop  }
__scs_overlays_trampoline_lowered:
0x8: {  	[smem:$0x3FA2] =	sst s0  }
0x9: {  	[smem:$0x3FA3] =	sst s1  }
0xa: {  	[smem:$0x3FA4] =	sst s2  }
0xb: {  	[smem:$0x3FA5] =	sst s3  }
0xc: {  	[smem:$0x3FA6] =	sst s4  }
0xd: {  	[smem:$0x3FA7] =	sst s5  }
0xe: {  	[smem:$0x3FA8] =	sst s6  }
0xf: {  	[smem:$0x3FA9] =	sst s7  }
0x10: {  	[smem:$0x3FAA] =	sst s8  }
0x11: {  	[smem:$0x3FAB] =	sst s9;
	s0 =	simm.s32 @!p0 $0x0  }
0x12: {  	s1 =	sld [smem:$0x3F91];
	s0 =	simm.s32 @p0 $0x1  }
0x13: {  	[smem:$0x3FAC] =	sst s0;
	s0 =	simm.s32 @!p1 $0x0  }
0x14: {  	s2 =	sld [smem:$0x3F90];
	s0 =	simm.s32 @p1 $0x1  }
0x15: {  	[smem:$0x3FAD] =	sst s0;
	s0 =	simm.s32 @!p2 $0x0  }
0x16: {  	s3 =	sld [smem:$0x3FDB];
	s0 =	simm.s32 @p2 $0x1  }
0x17: {  	s4 =	simm.s32 $0x1BF5;
	[smem:$0x3FAF] =	sst s0  }
0x18: {  	s0 =	sld [smem:$0x3F92];
	_ =	swait.ge [sflag:s4], $0x0  }
0x19: {  	s7 =	sld [smem:$0x3F93]  }
0x1a: {  	s8 =	sadd.s32 $0xFFFFE003, lr  }
0x1b: {  	s9 =	sadd.s32 $0xFFFFFEF7, lr;
	s5 =	simm.s32 $0xFFFFFFFF;
	p2 =	slt.u32 s8, $0xFFFFF086  }
0x1c: {  	p1 =	slt.u32 s9, $0xF7A;
	s5 =	simm.s32 @!p2 $0x0  }
0x1d: {  	s5 =	simm.s32 @p1 $0x1;
	p0 =	seq.s32 s7, s2  }
0x1e: {  	s7 =	smul.u32 @!p0 $0xF7A, s2;
	p2 =	seq.s32 @!p0 s5, $0x0  }
0x1f: {  	s9 =	smul.u32 $0xF7A, s1;
	s8 =	simm.s32 @!p0 $0x1BF5;
	p2 =	por !p2, p0  }
0x20: {  	[sflag:s8] =	ssyncset.s32 @!p0 $0xFFFFF086;
	s6 =	sadd.s32 @!p0 s3, s7;
	s7 =	simm.s32 @!p0 $0x108  }
0x21: {  	s3 =	sadd.s32 s3, s9;
	s6 =	sadd.s32 @!p0 $0x88, s6;
	s7 =	simm.s32 @p2 $0x1082  }
0x22: {  	[simem:s7], [sflag:s8] =	dma.local @!p0 [hbm:s6], $0xF7A  }
0x23: {  	s9 =	sor.u32 $0xD0000000, s2;
	s6 =	simm.s32 $0x108;
	_ =	swait.ge @!p0 [sflag:s8], $0x0  }
0x24: {  	s3 =	sadd.s32 $0x88, s3;
	s6 =	simm.s32 @!p1 $0x1082;
	[sflag:s4] =	ssyncset.s32 $0xFFFFF086  }
0x25: {  	[simem:s6], [sflag:s4] =	dma.local [hbm:s3], $0xF7A  }
0x26: {  	[smem:$0x3F93] =	sst s1;
	(tag) =	ssettag s2;
	_ =	strace s9  }
0x27: {  	s1 =	sld [smem:$0x3FA3]  }
0x28: {  	s2 =	sld [smem:$0x3FA4]  }
0x29: {  	s4 =	sld [smem:$0x3FA6]  }
0x2a: {  	p0 =	seq.s32 s5, $0x0;
	s5 =	sld [smem:$0x3FA7]  }
0x2b: {  	s6 =	sld [smem:$0x3FA8]  }
0x2c: {  	s7 =	sld [smem:$0x3FA9]  }
0x2d: {  	s3 =	simm.s32 $0x108;
	s8 =	sld [smem:$0x3FAA]  }
0x2e: {  	s3 =	simm.s32 @!p0 $0x1082;
	s9 =	sld [smem:$0x3FAB]  }
0x2f: {  	lr =	sadd.s32 s0, s3;
	s0 =	sld [smem:$0x3FA2]  }
0x30: {  	s3 =	sld [smem:$0x3FA5]  }
0x31: {  	[smem:$0x3FAE] =	sst s10  }
0x32: {  	s10 =	sld [smem:$0x3FAC];
	_ =	sdelay $0x3  }
0x33: {  	p0 =	seq.s32 s10, $0x1;
	s10 =	sld [smem:$0x3FAE];
	_ =	sdelay $0x3  }
0x34: {  	[smem:$0x3FAE] =	sst s10  }
0x35: {  	s10 =	sld [smem:$0x3FAD];
	_ =	sdelay $0x3  }
0x36: {  	p1 =	seq.s32 s10, $0x1;
	s10 =	sld [smem:$0x3FAE];
	_ =	sdelay $0x3  }
0x37: {  	[smem:$0x3FAE] =	sst s10  }
0x38: {  	s10 =	sld [smem:$0x3FAF]  }
0x39: {  	_ = 	snop;
	(pc) =	sbr.ind lr, $3  }
0x3a: {  	_ = 	snop  }
0x3b: {  	_ = 	snop  }
0x3c: {  	p2 =	seq.s32 s10, $0x1;
	s10 =	sld [smem:$0x3FAE]  }
0x3d: {  	_ =	shalt  }
0x3e: {  	_ =	shalt  }
0x3f: {  	_ =	shalt  }
0x40: {  	_ =	shalt  }
0x41: {  	_ =	shalt  }
0x42: {  	_ =	shalt  }
0x43: {  	_ =	shalt  }
0x44: {  	_ =	shalt  }
0x45: {  	_ =	shalt  }
0x46: {  	_ =	shalt  }
0x47: {  	_ =	shalt  }
0x48: {  	_ =	shalt  }
0x49: {  	_ =	shalt  }
0x4a: {  	_ =	shalt  }
0x4b: {  	_ =	shalt  }
0x4c: {  	_ =	shalt  }
0x4d: {  	_ =	shalt  }
0x4e: {  	_ =	shalt  }
0x4f: {  	_ =	shalt  }
0x50: {  	_ =	shalt  }
0x51: {  	_ =	shalt  }
0x52: {  	_ =	shalt  }
0x53: {  	_ =	shalt  }
0x54: {  	_ =	shalt  }
0x55: {  	_ =	shalt  }
0x56: {  	_ =	shalt  }
0x57: {  	_ =	shalt  }
0x58: {  	_ =	shalt  }
0x59: {  	_ =	shalt  }
0x5a: {  	_ =	shalt  }
0x5b: {  	_ =	shalt  }
0x5c: {  	_ =	shalt  }
0x5d: {  	_ =	shalt  }
0x5e: {  	_ =	shalt  }
0x5f: {  	_ =	shalt  }
0x60: {  	_ =	shalt  }
0x61: {  	_ =	shalt  }
0x62: {  	_ =	shalt  }
0x63: {  	_ =	shalt  }
0x64: {  	_ =	shalt  }
0x65: {  	_ =	shalt  }
0x66: {  	_ =	shalt  }
0x67: {  	_ =	shalt  }
0x68: {  	_ =	shalt  }
0x69: {  	_ =	shalt  }
0x6a: {  	_ =	shalt  }
0x6b: {  	_ =	shalt  }
0x6c: {  	_ =	shalt  }
0x6d: {  	_ =	shalt  }
0x6e: {  	_ =	shalt  }
0x6f: {  	_ =	shalt  }
0x70: {  	_ =	shalt  }
0x71: {  	_ =	shalt  }
0x72: {  	_ =	shalt  }
0x73: {  	_ =	shalt  }
0x74: {  	_ =	shalt  }
0x75: {  	_ =	shalt  }
0x76: {  	_ =	shalt  }
0x77: {  	_ =	shalt  }
0x78: {  	_ =	shalt  }
0x79: {  	_ =	shalt  }
0x7a: {  	_ =	shalt  }
0x7b: {  	_ =	shalt  }
0x7c: {  	_ =	shalt  }
0x7d: {  	_ =	shalt  }
0x7e: {  	_ =	shalt  }
0x7f: {  	_ =	shalt  }
0x80: {  	_ =	shalt  }
0x81: {  	_ =	shalt  }
0x82: {  	_ =	shalt  }
0x83: {  	_ =	shalt  }
0x84: {  	_ =	shalt  }
0x85: {  	_ =	shalt  }
0x86: {  	_ =	shalt  }
0x87: {  	_ =	shalt  }
.Lfunc_end0:
.L_simem_size_0:
called_computation_lowered:
.L_overlay_start_0:
0x88: {  	s2 =	sld [smem:$0x3FD9]  }
0x89: {  	s3 =	sld [smem:$0x3FFE];
	_ =	sdelay $0x1  }
0x8a: {  	s1 =	srdreg.scid  }
0x8b: {  	s0 =	sand.u32 $0x1, s1  }
0x8c: {  	s17 =	sshll.u32 s0, $0xA;
	s2 =	sadd.s32 s3, s2  }
0x8d: {  	s2 =	sadd.s32 s2, s17  }
0x8e: {  	[smem:$0x3FBA] =	sst s2  }
0x8f: {  	_ = 	snop  }
0x90: {  	s2 =	sld [smem:$0x3FC9]  }
0x91: {  	s18 =	sld [smem:$0x3FD0];
	(tm) =	ssettm $0x1  }
0x92: {  	s4 =	sld [smem:$0x3FFB];
	_ =	sdelay $0x3  }
0x93: {  	_ =	strace s4  }
0x94: {  	s4 =	sld [smem:$0x3FFC];
	_ =	sdelay $0x3  }
0x95: {  	_ =	strace s4  }
0x96: {  	s4 =	sld [smem:$0x3FFD];
	_ =	sdelay $0x3  }
0x97: {  	_ =	strace s4  }
0x98: {  	_ =	strace $0x8FFFFFFF  }
0x99: {  	s19 =	sld [smem:$0x3FDB];
	_ =	sdelay $0x1  }
0x9a: {  	s5 =	simm.s32 $_scs_section_size  }
0x9b: {  	s6 =	simm.s32 $_size__tile_overlayer_lowered;
	s7 =	simm.s32 $_tile_overlayer_lowered  }
0x9c: {  	s22 =	simm.s32 $0x1BFF;
	s21 =	sshll.u32 s7, $0x1;
	s4 =	sadd.s32 s5, s19  }
0x9d: {  	s8 =	simm.s32 $0x0;
	s20 =	sshll.u32 s6, $0x1;
	s6 =	sadd.s32 s21, s4  }
0x9e: {  	[timem:s8], [sflag:s22] =	dma.local [hbm:s6], s20  }
0x9f: {  	_ =	swait.ge [sflag:s22], s20  }
0xa0: {  	s5 =	ssub.s32 $0x0, s20;
	[sflag:s22] =	ssyncset.done $0x0  }
0xa1: {  	[sflag:s22] =	ssyncadd.s32 s5;
	_ =	sdelay $0x1  }
0xa2: {  	s23 =	simm.s32 $0x1B8B  }
0xa3: {  	_ =	swait.ge [sflag:s23], $0x1  }
0xa4: {  	[sflag:s23] =	ssyncset.done $0x0  }
0xa5: {  	s25 =	simm.s32 $0x1B8E;
	s24 =	sld [smem:$0x3FFE];
	[sflag:s23] =	ssyncadd.s32 $0xFFFFFFFF  }
0xa6: {  	s26 =	simm.s32 $execute0_lowered;
	[smem:$0x3FD2] =	sst s25  }
0xa7: {  	s6 =	sshll.u32 s26, $0x1;
	_ =	strace $0x80000046;
	[dreg:$0x1] =	wrdreg $0xFFFFFFFF  }
0xa8: {  	s28 =	simm.s32 $_size_execute0_lowered;
	s4 =	sadd.s32 s4, s6;
	[dreg:$0x0] =	wrdreg $0x0  }
0xa9: {  	s6 =	sshll.u32 s28, $0x1;
	[dreg:$0x2] =	wrdreg s4  }
0xaa: {  	[dreg:$0x3] =	wrdreg s6  }
0xab: {  	[dreg:$0x4] =	wrdreg $0xC0  }
0xac: {  	_ =	task [dreg:s8], $0x5FFFF  }
0xad: {  	[dreg:$0x1] =	wrdreg $0xFFFFFFFF  }
0xae: {  	[dreg:$0x0] =	wrdreg $0x60  }
0xaf: {  	[dreg:$0x2] =	wrdreg s2  }
0xb0: {  	[dreg:$0x3] =	wrdreg s18  }
0xb1: {  	[dreg:$0x4] =	wrdreg s24  }
0xb2: {  	[dreg:$0x5] =	wrdreg $0x9  }
0xb3: {  	_ =	task.clear_ibuf [dreg:s8], $0x6FFFF;
	_ =	strace $0x90000046  }
0xb4: {  	s29 =	simm.s32 $0x9;
	_ =	strace $0x80000048  }
0xb5: {  	_ =	swait.ge [sflag:s29], $0x1  }
0xb6: {  	[sflag:s29] =	ssyncadd.s32 $0xFFFFFFFF  }
0xb7: {  	_ =	strace $0x90000048  }
0xb8: {  	_ =	sfence  }
0xb9: {  	s30 =	sld [smem:$0x0];
	_ =	sdelay $0x2  }
0xba: {  	s31 =	sshll.u32 s1, $0xD;
	s1 =	sshrl.u32 s1, $0x2  }
0xbb: {  	s3 =	sand.u32 $0x4000, s31;
	s1 =	sadd.s32 s1, s30  }
0xbc: {  	s0 =	sor.u32 s3, s0;
	s1 =	sshll.u32 s1, $0x11  }
0xbd: {  	s0 =	sor.u32 s1, s0  }
0xbe: {  	s0 =	sadd.s32 $0x8F2B, s0  }
0xbf: {  	[sflag:s0] =	ssyncadd.remote.s32 $0x1  }
0xc0: {  	_ =	sfence.sel $0xFFFF  }
0xc1: {  	[dreg:$0x0] =	wrdreg $0xFFFFFFFF;
	(pc) =	sbr.abs _section_cstart, $3  }
0xc2: {  	[dreg:$0x1] =	wrdreg $0xFFFFFFFF  }
0xc3: {  	_ =	task.clear_ibuf [dreg:s8], $0x2FFFF;
	_ =	strace $0x9FFFFFFF  }
0xc4: {  	(tm) =	ssettm $0x7FFFFFFF  }
0xc5: {  	_ =	shalt  }
tec
execute0_lowered:
.L_overlay_start_1:
0x0: {  	(tag) =	ssettag $0x1  }
0x1: {  	s0 =	rddreg [dreg:$0x0];
	s1 =	srdreg.scid  }
0x2: {  	s4 =	rddreg [dreg:$0x1];
	s2 =	stileid.u32  }
0x3: {  	s5 =	rddreg [dreg:$0x2];
	s26 =	simm.s32 $0x80;
	s9 =	simm.s32 $0x2  }
0x4: {  	s12 =	simm.s32 $0x1900;
	s13 =	simm.s32 $0x2100;
	s14 =	simm.s32 $0x2900  }
0x5: {  	s15 =	simm.s32 $0x3100;
	s16 =	simm.s32 $0x3900;
	s17 =	simm.s32 $0x4100  }
0x6: {  	s18 =	simm.s32 $0x4900;
	s19 =	simm.s32 $0x5100;
	s20 =	simm.s32 $0x5900  }
0x7: {  	s21 =	simm.s32 $0x6100;
	s22 =	simm.s32 $0x6900;
	s28 =	simm.s32 $0x9100  }
0x8: {  	s29 =	simm.s32 $0x9900;
	s30 =	simm.s32 $0xA100;
	s31 =	simm.s32 $0xA900  }
0x9: {  	s1 =	sand.u32 $0x1, s1;
	s3 =	sshll.u32 s2, $0x4;
	s2 =	simm.s32 $0x0  }
0xa: {  	s6 =	sshll.u32 s1, $0x3;
	[smem:$0x7FF] =	sst s2;
	s1 =	ssub.s32 $0x2, s1  }
0xb: {  	s6 =	sor.u32 s6, s3;
	_ =	strace $0x80000047;
	s3 =	sadd.s32 $0x11C00, s5  }
0xc: {  	s23 =	sshrl.u32 s1, $0x1;
	[dreg:$0x7] =	wrdreg s26;
	s26 =	simm.s32 $0x8900  }
0xd: {  	s7 =	smul.u32 $0x300, s6;
	s8 =	sadd.s32 s6, s5;
	s24 =	sadd.s32 s4, s6  }
0xe: {  	s1 =	ssub.s32 s1, s23;
	s4 =	sadd.s32 $0x11D00, s5;
	s5 =	sadd.s32 $0x11E00, s5  }
0xf: {  	s23 =	simm.s32 $0x7100;
	[dreg:$0x5] =	wrdreg s24;
	s25 =	sadd.s32 $0x11A00, s8  }
0x10: {  	v2 =	vlaneseq.u32;
	s6 =	smax.u32 s1, $0x1;
	s8 =	simm.s32 $0x3;
	s24 =	simm.s32 $0x7900  }
0x11: {  	vm0 =	vmmov $0xffff;
	v1 =	vshrl.u32 v2, $0x3;
	s1 =	simm.s32 $0xB100;
	s0 =	sadd.s32 s0, s7;
	[dreg:$0x6] =	wrdreg s25  }
0x12: {  	v0 =	vand.u32 $0x7, v2;
	v2 =	vor.u32 $0x8, v2;
	v1 =	vmul.u32 $0x8, v1;
	s25 =	simm.s32 $0x8100;
	s7 =	simm.s32 $0xB900;
	[dreg:$0x4] =	wrdreg s0  }
.LBB2_1:
0x13: {  	s10 =	rddreg [dreg:$0x4];
	s0 =	simm.s32 $0x100  }
0x14: {  	[tilespmem:s0], [sflag:$0x3] =	stream.linear.gather [hbm4b:s10+s2], $0xC000, $0x38;
	[tilespmem:$0xC100] =	vst v63  }
0x15: {  	_ =	swait.ge [sflag:s8], $0xC000  }
0x16: {  	[sflag:s8] =	ssyncset.done $0x0  }
0x17: {  	s11 =	rddreg [dreg:$0x5];
	[sflag:s8] =	ssyncadd.s32 $0xFFFF4000  }
0x18: {  	[tilespmem:s2], [sflag:$0x3] =	stream.linear.gather [hbm4b:s11+s2], $0x40, $0x38;
	[tilespmem:$0xC100] =	vst v63  }
0x19: {  	_ =	swait.ge [sflag:s8], $0x40  }
0x1a: {  	s10 =	rddreg [dreg:$0x6];
	[sflag:s8] =	ssyncset.done $0x0  }
0x1b: {  	s11 =	rddreg [dreg:$0x7];
	[sflag:s8] =	ssyncadd.s32 $0xFFFFFFC0  }
0x1c: {  	[tilespmem:s11], [sflag:$0x3] =	stream.linear.gather [hbm4b:s10+s2], $0x40, $0x38;
	[tilespmem:$0xC100] =	vst v63  }
0x1d: {  	_ =	swait.ge [sflag:s8], $0x40  }
0x1e: {  	[sflag:s8] =	ssyncset.done $0x0  }
0x1f: {  	[sflag:s8] =	ssyncadd.s32 $0xFFFFFFC0  }
0x20: {  	v3 =	vld [tilespmem:$0x0];
	_ =	sdelay $0x4  }
0x21: {  	v4 =	vshrl.u32 v3, $0x3  }
0x22: {  	v4 =	vmul.u32 $0x30, v4  }
0x23: {  	v3 =	vand.u32 $0x7, v3  }
0x24: {  	v3 =	vor.u32 v3, v4  }
0x25: {  	v4 =	vperm.xlane v3, v0;
	_ =	sdelay $0x1  }
0x26: {  	v4 =	vadd.s32 v1, v4;
	_ =	sdelay $0x3  }
0x27: {  	v3 =	vperm.xlane v3, v2  }
0x28: {  	[hbm4b:s3+s2] =	stream.indirect_vreg.scatter [tilespmem:s0], [sflag:$0x1], $0x80, v4, vm0, $0xb8;
	[tilespmem:$0xC100] =	vst v63  }
0x29: {  	s10 =	simm.s32 $0x900;
	v3 =	vadd.s32 v1, v3  }
0x2a: {  	[hbm4b:s4+s2] =	stream.indirect_vreg.scatter [tilespmem:s10], [sflag:$0x1], $0x80, v4, vm0, $0xb8;
	[tilespmem:$0xC100] =	vst v63  }
0x2b: {  	s11 =	simm.s32 $0x1100  }
0x2c: {  	[hbm4b:s5+s2] =	stream.indirect_vreg.scatter [tilespmem:s11], [sflag:$0x1], $0x80, v4, vm0, $0xb8;
	[tilespmem:$0xC100] =	vst v63  }
0x2d: {  	_ = 	snop  }
0x2e: {  	[hbm4b:s3+s2] =	stream.indirect_vreg.scatter [tilespmem:s12], [sflag:$0x1], $0x80, v3, vm0, $0xb8;
	[tilespmem:$0xC100] =	vst v63  }
0x2f: {  	_ = 	snop  }
0x30: {  	[hbm4b:s4+s2] =	stream.indirect_vreg.scatter [tilespmem:s13], [sflag:$0x1], $0x80, v3, vm0, $0xb8;
	[tilespmem:$0xC100] =	vst v63  }
0x31: {  	_ = 	snop  }
0x32: {  	[hbm4b:s5+s2] =	stream.indirect_vreg.scatter [tilespmem:s14], [sflag:$0x1], $0x80, v3, vm0, $0xb8;
	[tilespmem:$0xC100] =	vst v63  }
0x33: {  	v3 =	vld [tilespmem:$0x10];
	_ =	sdelay $0x4  }
0x34: {  	v57 =	vshrl.u32 v3, $0x3  }
0x35: {  	v4 =	vmul.u32 $0x30, v57  }
0x36: {  	v3 =	vand.u32 $0x7, v3  }
0x37: {  	v3 =	vor.u32 v3, v4  }
0x38: {  	v4 =	vperm.xlane v3, v0;
	_ =	sdelay $0x1  }
0x39: {  	v4 =	vadd.s32 v1, v4;
	_ =	sdelay $0x3  }
0x3a: {  	v3 =	vperm.xlane v3, v2  }
0x3b: {  	[hbm4b:s3+s2] =	stream.indirect_vreg.scatter [tilespmem:s15], [sflag:$0x1], $0x80, v4, vm0, $0xb8;
	[tilespmem:$0xC100] =	vst v63  }
0x3c: {  	v3 =	vadd.s32 v1, v3  }
0x3d: {  	[hbm4b:s4+s2] =	stream.indirect_vreg.scatter [tilespmem:s16], [sflag:$0x1], $0x80, v4, vm0, $0xb8;
	[tilespmem:$0xC100] =	vst v63  }
0x3e: {  	_ = 	snop  }
0x3f: {  	[hbm4b:s5+s2] =	stream.indirect_vreg.scatter [tilespmem:s17], [sflag:$0x1], $0x80, v4, vm0, $0xb8;
	[tilespmem:$0xC100] =	vst v63  }
0x40: {  	_ = 	snop  }
0x41: {  	[hbm4b:s3+s2] =	stream.indirect_vreg.scatter [tilespmem:s18], [sflag:$0x1], $0x80, v3, vm0, $0xb8;
	[tilespmem:$0xC100] =	vst v63  }
0x42: {  	_ = 	snop  }
0x43: {  	[hbm4b:s4+s2] =	stream.indirect_vreg.scatter [tilespmem:s19], [sflag:$0x1], $0x80, v3, vm0, $0xb8;
	[tilespmem:$0xC100] =	vst v63  }
0x44: {  	_ = 	snop  }
0x45: {  	[hbm4b:s5+s2] =	stream.indirect_vreg.scatter [tilespmem:s20], [sflag:$0x1], $0x80, v3, vm0, $0xb8;
	[tilespmem:$0xC100] =	vst v63  }
0x46: {  	v3 =	vld [tilespmem:$0x20];
	_ =	sdelay $0x4  }
0x47: {  	v58 =	vshrl.u32 v3, $0x3  }
0x48: {  	v4 =	vmul.u32 $0x30, v58  }
0x49: {  	v3 =	vand.u32 $0x7, v3  }
0x4a: {  	v3 =	vor.u32 v3, v4  }
0x4b: {  	v4 =	vperm.xlane v3, v0;
	_ =	sdelay $0x1  }
0x4c: {  	v4 =	vadd.s32 v1, v4;
	_ =	sdelay $0x3  }
0x4d: {  	v3 =	vperm.xlane v3, v2  }
0x4e: {  	[hbm4b:s3+s2] =	stream.indirect_vreg.scatter [tilespmem:s21], [sflag:$0x1], $0x80, v4, vm0, $0xb8;
	[tilespmem:$0xC100] =	vst v63  }
0x4f: {  	v3 =	vadd.s32 v1, v3  }
0x50: {  	[hbm4b:s4+s2] =	stream.indirect_vreg.scatter [tilespmem:s22], [sflag:$0x1], $0x80, v4, vm0, $0xb8;
	[tilespmem:$0xC100] =	vst v63  }
0x51: {  	_ = 	snop  }
0x52: {  	[hbm4b:s5+s2] =	stream.indirect_vreg.scatter [tilespmem:s23], [sflag:$0x1], $0x80, v4, vm0, $0xb8;
	[tilespmem:$0xC100] =	vst v63  }
0x53: {  	_ = 	snop  }
0x54: {  	[hbm4b:s3+s2] =	stream.indirect_vreg.scatter [tilespmem:s24], [sflag:$0x1], $0x80, v3, vm0, $0xb8;
	[tilespmem:$0xC100] =	vst v63  }
0x55: {  	_ = 	snop  }
0x56: {  	[hbm4b:s4+s2] =	stream.indirect_vreg.scatter [tilespmem:s25], [sflag:$0x1], $0x80, v3, vm0, $0xb8;
	[tilespmem:$0xC100] =	vst v63  }
0x57: {  	_ = 	snop  }
0x58: {  	[hbm4b:s5+s2] =	stream.indirect_vreg.scatter [tilespmem:s26], [sflag:$0x1], $0x80, v3, vm0, $0xb8;
	[tilespmem:$0xC100] =	vst v63  }
0x59: {  	v3 =	vld [tilespmem:$0x30];
	_ =	sdelay $0x4  }
0x5a: {  	v59 =	vshrl.u32 v3, $0x3  }
0x5b: {  	v4 =	vmul.u32 $0x30, v59  }
0x5c: {  	v3 =	vand.u32 $0x7, v3  }
0x5d: {  	v3 =	vor.u32 v3, v4  }
0x5e: {  	v4 =	vperm.xlane v3, v0;
	_ =	sdelay $0x1  }
0x5f: {  	v4 =	vadd.s32 v1, v4;
	_ =	sdelay $0x3  }
0x60: {  	v3 =	vperm.xlane v3, v2  }
0x61: {  	[hbm4b:s3+s2] =	stream.indirect_vreg.scatter [tilespmem:s28], [sflag:$0x1], $0x80, v4, vm0, $0xb8;
	[tilespmem:$0xC100] =	vst v63  }
0x62: {  	v3 =	vadd.s32 v1, v3  }
0x63: {  	[hbm4b:s4+s2] =	stream.indirect_vreg.scatter [tilespmem:s29], [sflag:$0x1], $0x80, v4, vm0, $0xb8;
	[tilespmem:$0xC100] =	vst v63  }
0x64: {  	_ = 	snop  }
0x65: {  	[hbm4b:s5+s2] =	stream.indirect_vreg.scatter [tilespmem:s30], [sflag:$0x1], $0x80, v4, vm0, $0xb8;
	[tilespmem:$0xC100] =	vst v63  }
0x66: {  	_ = 	snop  }
0x67: {  	[hbm4b:s3+s2] =	stream.indirect_vreg.scatter [tilespmem:s31], [sflag:$0x1], $0x80, v3, vm0, $0xb8;
	[tilespmem:$0xC100] =	vst v63  }
0x68: {  	_ = 	snop  }
0x69: {  	[hbm4b:s4+s2] =	stream.indirect_vreg.scatter [tilespmem:s1], [sflag:$0x1], $0x80, v3, vm0, $0xb8;
	[tilespmem:$0xC100] =	vst v63  }
0x6a: {  	_ = 	snop  }
0x6b: {  	[hbm4b:s5+s2] =	stream.indirect_vreg.scatter [tilespmem:s7], [sflag:$0x1], $0x80, v3, vm0, $0xb8;
	[tilespmem:$0xC100] =	vst v63  }
0x6c: {  	v3 =	vld [tilespmem:$0x80];
	_ =	sdelay $0x4  }
0x6d: {  	v60 =	vshrl.u32 v3, $0x3  }
0x6e: {  	v4 =	vmul.u32 $0x30, v60  }
0x6f: {  	v3 =	vand.u32 $0x7, v3  }
0x70: {  	v3 =	vor.u32 v3, v4  }
0x71: {  	v4 =	vperm.xlane v3, v0;
	_ =	sdelay $0x1  }
0x72: {  	v4 =	vadd.s32 v1, v4;
	_ =	sdelay $0x3  }
0x73: {  	v3 =	vperm.xlane v3, v2  }
0x74: {  	[hbm4b:s3+s2] =	stream.indirect_vreg.scatter [tilespmem:s0], [sflag:$0x2], $0x80, v4, vm0, $0xb8;
	[tilespmem:$0xC100] =	vst v63  }
0x75: {  	v3 =	vadd.s32 v1, v3  }
0x76: {  	[hbm4b:s4+s2] =	stream.indirect_vreg.scatter [tilespmem:s10], [sflag:$0x2], $0x80, v4, vm0, $0xb8;
	[tilespmem:$0xC100] =	vst v63  }
0x77: {  	_ = 	snop  }
0x78: {  	[hbm4b:s5+s2] =	stream.indirect_vreg.scatter [tilespmem:s11], [sflag:$0x2], $0x80, v4, vm0, $0xb8;
	[tilespmem:$0xC100] =	vst v63  }
0x79: {  	_ = 	snop  }
0x7a: {  	[hbm4b:s3+s2] =	stream.indirect_vreg.scatter [tilespmem:s12], [sflag:$0x2], $0x80, v3, vm0, $0xb8;
	[tilespmem:$0xC100] =	vst v63  }
0x7b: {  	_ = 	snop  }
0x7c: {  	[hbm4b:s4+s2] =	stream.indirect_vreg.scatter [tilespmem:s13], [sflag:$0x2], $0x80, v3, vm0, $0xb8;
	[tilespmem:$0xC100] =	vst v63  }
0x7d: {  	_ = 	snop  }
0x7e: {  	[hbm4b:s5+s2] =	stream.indirect_vreg.scatter [tilespmem:s14], [sflag:$0x2], $0x80, v3, vm0, $0xb8;
	[tilespmem:$0xC100] =	vst v63  }
0x7f: {  	v3 =	vld [tilespmem:$0x90];
	_ =	sdelay $0x4  }
0x80: {  	v61 =	vshrl.u32 v3, $0x3  }
0x81: {  	v4 =	vmul.u32 $0x30, v61  }
0x82: {  	v3 =	vand.u32 $0x7, v3  }
0x83: {  	v3 =	vor.u32 v3, v4  }
0x84: {  	v4 =	vperm.xlane v3, v0;
	_ =	sdelay $0x1  }
0x85: {  	v4 =	vadd.s32 v1, v4;
	_ =	sdelay $0x3  }
0x86: {  	v3 =	vperm.xlane v3, v2  }
0x87: {  	[hbm4b:s3+s2] =	stream.indirect_vreg.scatter [tilespmem:s15], [sflag:$0x2], $0x80, v4, vm0, $0xb8;
	[tilespmem:$0xC100] =	vst v63  }
0x88: {  	v3 =	vadd.s32 v1, v3  }
0x89: {  	[hbm4b:s4+s2] =	stream.indirect_vreg.scatter [tilespmem:s16], [sflag:$0x2], $0x80, v4, vm0, $0xb8;
	[tilespmem:$0xC100] =	vst v63  }
0x8a: {  	_ = 	snop  }
0x8b: {  	[hbm4b:s5+s2] =	stream.indirect_vreg.scatter [tilespmem:s17], [sflag:$0x2], $0x80, v4, vm0, $0xb8;
	[tilespmem:$0xC100] =	vst v63  }
0x8c: {  	_ = 	snop  }
0x8d: {  	[hbm4b:s3+s2] =	stream.indirect_vreg.scatter [tilespmem:s18], [sflag:$0x2], $0x80, v3, vm0, $0xb8;
	[tilespmem:$0xC100] =	vst v63  }
0x8e: {  	_ = 	snop  }
0x8f: {  	[hbm4b:s4+s2] =	stream.indirect_vreg.scatter [tilespmem:s19], [sflag:$0x2], $0x80, v3, vm0, $0xb8;
	[tilespmem:$0xC100] =	vst v63  }
0x90: {  	_ = 	snop  }
0x91: {  	[hbm4b:s5+s2] =	stream.indirect_vreg.scatter [tilespmem:s20], [sflag:$0x2], $0x80, v3, vm0, $0xb8;
	[tilespmem:$0xC100] =	vst v63  }
0x92: {  	v3 =	vld [tilespmem:$0xA0];
	_ =	sdelay $0x4  }
0x93: {  	v62 =	vshrl.u32 v3, $0x3  }
0x94: {  	v4 =	vmul.u32 $0x30, v62  }
0x95: {  	v3 =	vand.u32 $0x7, v3  }
0x96: {  	v3 =	vor.u32 v3, v4  }
0x97: {  	v4 =	vperm.xlane v3, v0;
	_ =	sdelay $0x1  }
0x98: {  	v4 =	vadd.s32 v1, v4;
	_ =	sdelay $0x3  }
0x99: {  	v3 =	vperm.xlane v3, v2  }
0x9a: {  	[hbm4b:s3+s2] =	stream.indirect_vreg.scatter [tilespmem:s21], [sflag:$0x2], $0x80, v4, vm0, $0xb8;
	[tilespmem:$0xC100] =	vst v63  }
0x9b: {  	v3 =	vadd.s32 v1, v3  }
0x9c: {  	[hbm4b:s4+s2] =	stream.indirect_vreg.scatter [tilespmem:s22], [sflag:$0x2], $0x80, v4, vm0, $0xb8;
	[tilespmem:$0xC100] =	vst v63  }
0x9d: {  	_ = 	snop  }
0x9e: {  	[hbm4b:s5+s2] =	stream.indirect_vreg.scatter [tilespmem:s23], [sflag:$0x2], $0x80, v4, vm0, $0xb8;
	[tilespmem:$0xC100] =	vst v63  }
0x9f: {  	_ = 	snop  }
0xa0: {  	[hbm4b:s3+s2] =	stream.indirect_vreg.scatter [tilespmem:s24], [sflag:$0x2], $0x80, v3, vm0, $0xb8;
	[tilespmem:$0xC100] =	vst v63  }
0xa1: {  	_ = 	snop  }
0xa2: {  	[hbm4b:s4+s2] =	stream.indirect_vreg.scatter [tilespmem:s25], [sflag:$0x2], $0x80, v3, vm0, $0xb8;
	[tilespmem:$0xC100] =	vst v63  }
0xa3: {  	_ = 	snop  }
0xa4: {  	[hbm4b:s5+s2] =	stream.indirect_vreg.scatter [tilespmem:s26], [sflag:$0x2], $0x80, v3, vm0, $0xb8;
	[tilespmem:$0xC100] =	vst v63  }
0xa5: {  	v3 =	vld [tilespmem:$0xB0];
	_ =	sdelay $0x4  }
0xa6: {  	v63 =	vshrl.u32 v3, $0x3  }
0xa7: {  	v4 =	vmul.u32 $0x30, v63  }
0xa8: {  	v3 =	vand.u32 $0x7, v3  }
0xa9: {  	v3 =	vor.u32 v3, v4  }
0xaa: {  	v4 =	vperm.xlane v3, v0;
	_ =	sdelay $0x1  }
0xab: {  	v4 =	vadd.s32 v1, v4;
	_ =	sdelay $0x3  }
0xac: {  	v3 =	vperm.xlane v3, v2  }
0xad: {  	[hbm4b:s3+s2] =	stream.indirect_vreg.scatter [tilespmem:s28], [sflag:$0x2], $0x80, v4, vm0, $0xb8;
	[tilespmem:$0xC100] =	vst v63  }
0xae: {  	v3 =	vadd.s32 v1, v3  }
0xaf: {  	[hbm4b:s4+s2] =	stream.indirect_vreg.scatter [tilespmem:s29], [sflag:$0x2], $0x80, v4, vm0, $0xb8;
	[tilespmem:$0xC100] =	vst v63  }
0xb0: {  	_ = 	snop  }
0xb1: {  	[hbm4b:s5+s2] =	stream.indirect_vreg.scatter [tilespmem:s30], [sflag:$0x2], $0x80, v4, vm0, $0xb8;
	[tilespmem:$0xC100] =	vst v63  }
0xb2: {  	_ = 	snop  }
0xb3: {  	[hbm4b:s3+s2] =	stream.indirect_vreg.scatter [tilespmem:s31], [sflag:$0x2], $0x80, v3, vm0, $0xb8;
	[tilespmem:$0xC100] =	vst v63  }
0xb4: {  	_ = 	snop  }
0xb5: {  	[hbm4b:s4+s2] =	stream.indirect_vreg.scatter [tilespmem:s1], [sflag:$0x2], $0x80, v3, vm0, $0xb8;
	[tilespmem:$0xC100] =	vst v63  }
0xb6: {  	s11 =	simm.s32 $0x1  }
0xb7: {  	[hbm4b:s5+s2] =	stream.indirect_vreg.scatter [tilespmem:s7], [sflag:$0x2], $0x80, v3, vm0, $0xb8;
	[tilespmem:$0xC100] =	vst v63  }
0xb8: {  	p0 =	sne.s32 s6, $0x1;
	_ =	swait.ge [sflag:s11], $0xC000  }
.Ltmp0:
0xb9: {  	[sflag:s11] =	ssyncset.done $0x0;
	(pc) =	sbr.rel @p0 .LBB2_1-.Ltmp0, $4  }
0xba: {  	[sflag:s11] =	ssyncadd.s32 $0xFFFF4000  }
0xbb: {  	_ =	swait.ge [sflag:s9], $0xC000  }
0xbc: {  	[sflag:s9] =	ssyncset.done $0x0  }
0xbd: {  	s6 =	sadd.s32 $0xFFFFFFFF, s6;
	[sflag:s9] =	ssyncadd.s32 $0xFFFF4000  }
0xbe: {  	_ =	sfence.sel $0x180000  }
0xbf: {  	[bflag:$0x0] =	sbarrier.arrive $0xFFFF  }
0xc0: {  	_ =	strace $0x90000047  }
0xc1: {  	s0 =	stileid.u32;
	[bflag:$0x2] =	sbarrier.arrive $0xFFFF  }
0xc2: {  	p0 =	sne.s32 s0, $0x0;
	s0 =	rddreg [dreg:$0x3]  }
0xc3: {  	s0 =	sadd.s32 @!p0 $0x100000, s0  }
0xc4: {  	[sflag:s0] =	ssyncadd.tile.s32 @!p0 $0x1;
	_ =	shalt  }
.Lfunc_end2:
_tile_overlayer_lowered:
.L_overlay_start_2:
0xc5: {  	(tag) =	ssettag $0x2  }
0xc6: {  	s0 =	rddreg [dreg:$0x0];
	s2 =	stileid.u32  }
0xc7: {  	s1 =	rddreg [dreg:$0x1];
	p0 =	sne.s32 s2, $0x0  }
0xc8: {  	s3 =	rddreg [dreg:$0x2];
	[bflag:$0x3] =	sbarrier.arrive $0xFFFF;
	s2 =	simm.s32 @!p0 $0x1C03  }
0xc9: {  	[timem:s3], [sflag:s2] =	dma.local @!p0 [hbm:s0], s1  }
0xca: {  	s0 =	simm.s32 @!p0 $0x3  }
0xcb: {  	_ =	swait.ge @!p0 [sflag:s0], s1  }
0xcc: {  	s1 =	ssub.s32 @!p0 $0x0, s1;
	[sflag:s0] =	ssyncset.done @!p0 $0x0  }
0xcd: {  	[sflag:s0] =	ssyncadd.s32 @!p0 s1  }
0xce: {  	[bflag:$0x3] =	sbarrier.arrive $0xFFFF  }
0xcf: {  	_ =	shalt  }

</sc_bundles>
